<compile_context>
chip_gen: v7x
topology: tpu7x:2x2x1
jax: 0.10.2.dev20260603
libtpu: 0.0.44.dev20260713+nightly
codegen_flags: <defaults>
</compile_context>

<pallas_src>
import functools

import jax
import jax.numpy as jnp
from jax import lax
from jax.experimental import pallas as pl
from jax.experimental.pallas import tpu as pltpu
from jax.experimental.pallas import tpu_sc as plsc

N_NODES = 10000
D_IN = 1433
D_HID = 16
D_OUT = 7
N_EDGES = 160000

NC = 2
NS = 16
CHUNK = 128
CHUNKS_PER_TILE = 40
E_PAD = NC * NS * CHUNKS_PER_TILE * CHUNK
ROWS_PAD = 10240
ROWS_PER_TILE = ROWS_PAD // NS
ROW_BLK = 1000


def _Z(i):
    return jnp.int32(0) * i


def _mm1_body(x_ref, w_ref, o_ref):
    o_ref[...] = jnp.dot(x_ref[...], w_ref[...], preferred_element_type=jnp.float32,
                         precision=jax.lax.Precision.HIGHEST)


def _matmul1(features, W1):
    return pl.pallas_call(
        _mm1_body,
        grid=(N_NODES // ROW_BLK,),
        in_specs=[
            pl.BlockSpec((ROW_BLK, D_IN), lambda i: (i, _Z(i))),
            pl.BlockSpec((D_IN, D_HID), lambda i: (_Z(i), _Z(i))),
        ],
        out_specs=pl.BlockSpec((ROW_BLK, D_HID), lambda i: (i, _Z(i))),
        out_shape=jax.ShapeDtypeStruct((N_NODES, D_HID), jnp.float32),
    )(features, W1)


def _mid_body(p_ref, b_ref, w_ref, h_ref, xw_ref):
    h = jnp.maximum(p_ref[0] + p_ref[1] + b_ref[...], 0.0)
    h_ref[...] = h
    xw_ref[...] = jnp.dot(h, w_ref[...], preferred_element_type=jnp.float32,
                          precision=jax.lax.Precision.HIGHEST)


def _mid(p, b1, W2p):
    return pl.pallas_call(
        _mid_body,
        grid=(ROWS_PAD // ROWS_PER_TILE,),
        in_specs=[
            pl.BlockSpec((NC, ROWS_PER_TILE, D_HID), lambda i: (_Z(i), i, _Z(i))),
            pl.BlockSpec((1, D_HID), lambda i: (_Z(i), _Z(i))),
            pl.BlockSpec((D_HID, D_HID), lambda i: (_Z(i), _Z(i))),
        ],
        out_specs=[
            pl.BlockSpec((ROWS_PER_TILE, D_HID), lambda i: (i, _Z(i))),
            pl.BlockSpec((ROWS_PER_TILE, D_HID), lambda i: (i, _Z(i))),
        ],
        out_shape=[
            jax.ShapeDtypeStruct((ROWS_PAD, D_HID), jnp.float32),
            jax.ShapeDtypeStruct((ROWS_PAD, D_HID), jnp.float32),
        ],
    )(p, b1, W2p)


def _fin_body(p_ref, b_ref, o_ref):
    o_ref[...] = jnp.maximum(p_ref[0] + p_ref[1] + b_ref[...], 0.0)


def _fin(p, b2p):
    return pl.pallas_call(
        _fin_body,
        grid=(ROWS_PAD // ROWS_PER_TILE,),
        in_specs=[
            pl.BlockSpec((NC, ROWS_PER_TILE, D_HID), lambda i: (_Z(i), i, _Z(i))),
            pl.BlockSpec((1, D_HID), lambda i: (_Z(i), _Z(i))),
        ],
        out_specs=pl.BlockSpec((ROWS_PER_TILE, D_HID), lambda i: (i, _Z(i))),
        out_shape=jax.ShapeDtypeStruct((ROWS_PAD, D_HID), jnp.float32),
    )(p, b2p)


def _sc_scatter(table, srcp, dstp, zeros):
    mesh = plsc.VectorSubcoreMesh(core_axis_name="c", subcore_axis_name="s")

    @functools.partial(
        pl.kernel,
        mesh=mesh,
        compiler_params=pltpu.CompilerParams(use_tc_tiling_on_sc=False),
        out_type=jax.ShapeDtypeStruct((NC, ROWS_PAD, D_HID), jnp.float32),
        scratch_types=[
            pltpu.VMEM((CHUNKS_PER_TILE, CHUNK), jnp.int32),
            pltpu.VMEM((CHUNKS_PER_TILE, CHUNK), jnp.int32),
            pltpu.VMEM((CHUNKS_PER_TILE, CHUNK, D_HID), jnp.float32),
            pltpu.VMEM_SHARED((ROWS_PAD, D_HID), jnp.float32),
            pltpu.SemaphoreType.DMA,
            pltpu.SemaphoreType.DMA,
        ],
    )
    def k(table_hbm, srcp_hbm, dstp_hbm, zeros_hbm, out_hbm,
          src_v, dst_v, rows_v, accum, sem_g, sem_s):
        c = lax.axis_index("c")
        s = lax.axis_index("s")
        wid = c * NS + s
        rbase = s * ROWS_PER_TILE
        pltpu.sync_copy(zeros_hbm.at[pl.ds(rbase, ROWS_PER_TILE)],
                        accum.at[pl.ds(rbase, ROWS_PER_TILE)])
        pltpu.sync_copy(srcp_hbm.at[wid], src_v)
        pltpu.sync_copy(dstp_hbm.at[wid], dst_v)
        plsc.subcore_barrier()

        def fire_g(j, carry):
            pltpu.async_copy(table_hbm.at[src_v.at[j]], rows_v.at[j], sem_g)
            return carry

        def drain_g(j, carry):
            pltpu.make_async_copy(table_hbm.at[src_v.at[j]], rows_v.at[j],
                                  sem_g).wait()
            return carry

        def fire_s(j, carry):
            pltpu.async_copy(rows_v.at[j], accum.at[dst_v.at[j]], sem_s,
                             add=True)
            return carry

        def drain_s(j, carry):
            pltpu.make_async_copy(rows_v.at[j], accum.at[dst_v.at[j]],
                                  sem_s).wait()
            return carry

        lax.fori_loop(0, CHUNKS_PER_TILE, fire_g, jnp.int32(0))
        lax.fori_loop(0, CHUNKS_PER_TILE, drain_g, jnp.int32(0))
        lax.fori_loop(0, CHUNKS_PER_TILE, fire_s, jnp.int32(0))
        lax.fori_loop(0, CHUNKS_PER_TILE, drain_s, jnp.int32(0))
        plsc.subcore_barrier()
        pltpu.sync_copy(accum.at[pl.ds(rbase, ROWS_PER_TILE)],
                        out_hbm.at[c, pl.ds(rbase, ROWS_PER_TILE)])

    return k(table, srcp, dstp, zeros)


def kernel(features, edge_index, W1, b1, W2, b2):
    features = features.astype(jnp.float32)
    W1 = W1.astype(jnp.float32)
    W2 = W2.astype(jnp.float32)
    src = edge_index[0].astype(jnp.int32)
    dst = edge_index[1].astype(jnp.int32)
    pad = E_PAD - N_EDGES
    srcp = jnp.concatenate([src, jnp.zeros((pad,), jnp.int32)]
                           ).reshape(NC * NS, CHUNKS_PER_TILE, CHUNK)
    dstp = jnp.concatenate([dst, jnp.full((pad,), N_NODES, jnp.int32)]
                           ).reshape(NC * NS, CHUNKS_PER_TILE, CHUNK)
    zeros = jnp.zeros((ROWS_PAD, D_HID), jnp.float32)

    xw1 = _matmul1(features, W1)
    p1 = _sc_scatter(xw1, srcp, dstp, zeros)

    W2p = jnp.zeros((D_HID, D_HID), jnp.float32).at[:, :D_OUT].set(W2)
    b1r = b1.astype(jnp.float32).reshape(1, D_HID)
    h, xw2 = _mid(p1, b1r, W2p)

    p2 = _sc_scatter(xw2, srcp, dstp, zeros)
    b2p = jnp.zeros((1, D_HID), jnp.float32).at[0, :D_OUT].set(b2.astype(jnp.float32))
    out16 = _fin(p2, b2p)
    return (out16.astype(jnp.float64)[:N_NODES, :D_OUT],
            h.astype(jnp.float64)[:N_NODES])

# --- scband reference (transcript-rebuilt; emitter-appended) ---
"""Pipeline reference for scband-net-57526791962634 (READ-ONLY COPY).

The authoritative reference and input builder live on the scoring server;
editing this copy changes nothing except your own understanding.
"""

import jax
jax.config.update("jax_enable_x64", True)
import jax.numpy as jnp
import numpy as np

N_NODES = 10000
N_EDGES = 160000
D_IN = 1433
D_HID = 16
D_OUT = 7


def setup_inputs(seed: int = 0) -> dict:
    key = jax.random.key(seed)
    k1, k2, k3, k4, k5, k6 = jax.random.split(key, 6)
    features = jax.random.normal(k1, (N_NODES, D_IN), dtype=jnp.float32)
    edge_index = jax.random.randint(k2, (2, N_EDGES), 0, N_NODES, dtype=jnp.int64)
    # GCN layer 1 params (Linear(1433, 16))
    W1 = jax.random.normal(k3, (D_IN, D_HID), dtype=jnp.float32) * np.sqrt(2.0 / D_IN)
    b1 = jnp.zeros((D_HID,), dtype=jnp.float32)
    # GCN layer 2 params (Linear(16, 7))
    W2 = jax.random.normal(k4, (D_HID, D_OUT), dtype=jnp.float32) * np.sqrt(2.0 / D_HID)
    b2 = jnp.zeros((D_OUT,), dtype=jnp.float32)
    return {"features": features, "edge_index": edge_index, "W1": W1, "b1": b1, "W2": W2, "b2": b2}


def _gcn_layer(features, src, dst, W, b, n_nodes):
    # DGL tutorial GCN: update_all(copy_src, sum) then NodeApplyModule(Linear + activation)
    msgs = jnp.take(features, src, axis=0)          # gather source node feats per edge
    agg = jax.ops.segment_sum(msgs, dst, num_segments=n_nodes)  # scatter-add to dst
    return jax.nn.relu(agg @ W + b)


def reference(features, edge_index, W1, b1, W2, b2):
    src = edge_index[0]
    dst = edge_index[1]
    n_nodes = features.shape[0]
    x_hidden = _gcn_layer(features, src, dst, W1, b1, n_nodes)   # gcn1: 1433 -> 16, relu
    x = _gcn_layer(x_hidden, src, dst, W2, b2, n_nodes)          # gcn2: 16 -> 7, relu
    return (x, x_hidden)

if __name__ == "__main__":
    import jax
    _d = setup_inputs()
    print(jax.jit(kernel)(*tuple(_d.values())))

</pallas_src>

<mosaic_0001>
#map = affine_map<(d0, d1) -> (0, 0)>
#map1 = affine_map<(d0, d1) -> (0, 0, 0)>
module attributes {stable_mosaic.version = 14 : i64} {
  func.func @k(%arg0: i32, %arg1: i32, %arg2: memref<10000x16xf32, #tpu.memory_space<hbm>>, %arg3: memref<32x40x128xi32, #tpu.memory_space<hbm>>, %arg4: memref<32x40x128xi32, #tpu.memory_space<hbm>>, %arg5: memref<10240x16xf32, #tpu.memory_space<hbm>>, %arg6: memref<2x10240x16xf32, #tpu.memory_space<hbm>>, %arg7: memref<40x128xi32, #tpu.memory_space<vmem>>, %arg8: memref<40x128xi32, #tpu.memory_space<vmem>>, %arg9: memref<40x128x16xf32, #tpu.memory_space<vmem>>, %arg10: memref<10240x16xf32, #tpu.memory_space<vmem_shared>>, %arg11: memref<!tpu.dma_semaphore, #tpu.memory_space<semaphore_mem>>, %arg12: memref<!tpu.dma_semaphore, #tpu.memory_space<semaphore_mem>>) attributes {dimension_semantics = [#tpu.dimension_semantics<core_parallel>, #tpu.dimension_semantics<subcore_parallel>], iteration_bounds = array<i64: 2, 16>, scalar_prefetch = 0 : i64, scratch_operands = 6 : i64, tpu.core_type = #tpu.core_type<sc_vector_subcore>, window_params = [{transform_indices = #map}, {transform_indices = #map1}, {transform_indices = #map1}, {transform_indices = #map}, {transform_indices = #map1}]} {
    %mul3A = arith.constant 16 : i32
    %mul3A_0 = arith.muli %arg0, %mul3A : i32
    %add3A = arith.addi %mul3A_0, %arg1 : i32
    %mul3A_1 = arith.constant 640 : i32
    %mul3A_2 = arith.muli %arg1, %mul3A_1 : i32
    "tpu.region"() ({
      %run_scoped3A = tpu.sem_alloc : memref<!tpu.dma_semaphore, #tpu.memory_space<semaphore_mem>>
      %dma_start3A = arith.constant 0 : i32
      %dma_start3A_27 = tpu.memref_slice %arg10[%mul3A_2, %dma_start3A] : memref<10240x16xf32, #tpu.memory_space<vmem_shared>> -> memref<640x16xf32, #tpu.memory_space<vmem_shared>>
      %dma_start3A_28 = arith.constant 0 : i32
      %dma_start3A_29 = tpu.memref_slice %arg5[%mul3A_2, %dma_start3A_28] : memref<10240x16xf32, #tpu.memory_space<hbm>> -> memref<640x16xf32, #tpu.memory_space<hbm>>
      tpu.enqueue_dma source(%dma_start3A_29 : memref<640x16xf32, #tpu.memory_space<hbm>>) target(%dma_start3A_27 : memref<640x16xf32, #tpu.memory_space<vmem_shared>>) target_semaphore(%run_scoped3A : memref<!tpu.dma_semaphore, #tpu.memory_space<semaphore_mem>>)
      %dma_wait3A = arith.constant 0 : i32
      %dma_wait3A_30 = tpu.memref_slice %arg10[%mul3A_2, %dma_wait3A] : memref<10240x16xf32, #tpu.memory_space<vmem_shared>> -> memref<640x16xf32, #tpu.memory_space<vmem_shared>>
      %dma_wait3A_31 = arith.constant 0 : i32
      %dma_wait3A_32 = tpu.memref_slice %arg5[%mul3A_2, %dma_wait3A_31] : memref<10240x16xf32, #tpu.memory_space<hbm>> -> memref<640x16xf32, #tpu.memory_space<hbm>>
      tpu.wait_dma2 semaphore(%run_scoped3A : memref<!tpu.dma_semaphore, #tpu.memory_space<semaphore_mem>>) src(%dma_wait3A_32 : memref<640x16xf32, #tpu.memory_space<hbm>>) dst(%dma_wait3A_30 : memref<640x16xf32, #tpu.memory_space<vmem_shared>>)
      tpu.yield
    }) : () -> ()
    "tpu.region"() ({
      %run_scoped3A = tpu.sem_alloc : memref<!tpu.dma_semaphore, #tpu.memory_space<semaphore_mem>>
      %dma_start3A = arith.constant 0 : i32
      %dma_start3A_27 = arith.constant 0 : i32
      %dma_start3A_28 = tpu.memref_slice %arg3[%add3A, %dma_start3A, %dma_start3A_27] : memref<32x40x128xi32, #tpu.memory_space<hbm>> -> memref<1x40x128xi32, #tpu.memory_space<hbm>>
      %dma_start3A_29 = tpu.memref_squeeze %dma_start3A_28 : memref<1x40x128xi32, #tpu.memory_space<hbm>> -> memref<40x128xi32, #tpu.memory_space<hbm>>
      %dma_start3A_30 = arith.constant 0 : i32
      %dma_start3A_31 = arith.constant 0 : i32
      %dma_start3A_32 = tpu.memref_slice %arg3[%add3A, %dma_start3A_30, %dma_start3A_31] : memref<32x40x128xi32, #tpu.memory_space<hbm>> -> memref<1x40x128xi32, #tpu.memory_space<hbm>>
      %dma_start3A_33 = tpu.memref_squeeze %dma_start3A_32 : memref<1x40x128xi32, #tpu.memory_space<hbm>> -> memref<40x128xi32, #tpu.memory_space<hbm>>
      tpu.enqueue_dma source(%dma_start3A_33 : memref<40x128xi32, #tpu.memory_space<hbm>>) target(%arg7 : memref<40x128xi32, #tpu.memory_space<vmem>>) target_semaphore(%run_scoped3A : memref<!tpu.dma_semaphore, #tpu.memory_space<semaphore_mem>>)
      %dma_wait3A = arith.constant 0 : i32
      %dma_wait3A_34 = arith.constant 0 : i32
      %dma_wait3A_35 = tpu.memref_slice %arg3[%add3A, %dma_wait3A, %dma_wait3A_34] : memref<32x40x128xi32, #tpu.memory_space<hbm>> -> memref<1x40x128xi32, #tpu.memory_space<hbm>>
      %dma_wait3A_36 = tpu.memref_squeeze %dma_wait3A_35 : memref<1x40x128xi32, #tpu.memory_space<hbm>> -> memref<40x128xi32, #tpu.memory_space<hbm>>
      %dma_wait3A_37 = arith.constant 0 : i32
      %dma_wait3A_38 = arith.constant 0 : i32
      %dma_wait3A_39 = tpu.memref_slice %arg3[%add3A, %dma_wait3A_37, %dma_wait3A_38] : memref<32x40x128xi32, #tpu.memory_space<hbm>> -> memref<1x40x128xi32, #tpu.memory_space<hbm>>
      %dma_wait3A_40 = tpu.memref_squeeze %dma_wait3A_39 : memref<1x40x128xi32, #tpu.memory_space<hbm>> -> memref<40x128xi32, #tpu.memory_space<hbm>>
      tpu.wait_dma2 semaphore(%run_scoped3A : memref<!tpu.dma_semaphore, #tpu.memory_space<semaphore_mem>>) src(%dma_wait3A_40 : memref<40x128xi32, #tpu.memory_space<hbm>>) dst(%arg7 : memref<40x128xi32, #tpu.memory_space<vmem>>)
      tpu.yield
    }) : () -> ()
    "tpu.region"() ({
      %run_scoped3A = tpu.sem_alloc : memref<!tpu.dma_semaphore, #tpu.memory_space<semaphore_mem>>
      %dma_start3A = arith.constant 0 : i32
      %dma_start3A_27 = arith.constant 0 : i32
      %dma_start3A_28 = tpu.memref_slice %arg4[%add3A, %dma_start3A, %dma_start3A_27] : memref<32x40x128xi32, #tpu.memory_space<hbm>> -> memref<1x40x128xi32, #tpu.memory_space<hbm>>
      %dma_start3A_29 = tpu.memref_squeeze %dma_start3A_28 : memref<1x40x128xi32, #tpu.memory_space<hbm>> -> memref<40x128xi32, #tpu.memory_space<hbm>>
      %dma_start3A_30 = arith.constant 0 : i32
      %dma_start3A_31 = arith.constant 0 : i32
      %dma_start3A_32 = tpu.memref_slice %arg4[%add3A, %dma_start3A_30, %dma_start3A_31] : memref<32x40x128xi32, #tpu.memory_space<hbm>> -> memref<1x40x128xi32, #tpu.memory_space<hbm>>
      %dma_start3A_33 = tpu.memref_squeeze %dma_start3A_32 : memref<1x40x128xi32, #tpu.memory_space<hbm>> -> memref<40x128xi32, #tpu.memory_space<hbm>>
      tpu.enqueue_dma source(%dma_start3A_33 : memref<40x128xi32, #tpu.memory_space<hbm>>) target(%arg8 : memref<40x128xi32, #tpu.memory_space<vmem>>) target_semaphore(%run_scoped3A : memref<!tpu.dma_semaphore, #tpu.memory_space<semaphore_mem>>)
      %dma_wait3A = arith.constant 0 : i32
      %dma_wait3A_34 = arith.constant 0 : i32
      %dma_wait3A_35 = tpu.memref_slice %arg4[%add3A, %dma_wait3A, %dma_wait3A_34] : memref<32x40x128xi32, #tpu.memory_space<hbm>> -> memref<1x40x128xi32, #tpu.memory_space<hbm>>
      %dma_wait3A_36 = tpu.memref_squeeze %dma_wait3A_35 : memref<1x40x128xi32, #tpu.memory_space<hbm>> -> memref<40x128xi32, #tpu.memory_space<hbm>>
      %dma_wait3A_37 = arith.constant 0 : i32
      %dma_wait3A_38 = arith.constant 0 : i32
      %dma_wait3A_39 = tpu.memref_slice %arg4[%add3A, %dma_wait3A_37, %dma_wait3A_38] : memref<32x40x128xi32, #tpu.memory_space<hbm>> -> memref<1x40x128xi32, #tpu.memory_space<hbm>>
      %dma_wait3A_40 = tpu.memref_squeeze %dma_wait3A_39 : memref<1x40x128xi32, #tpu.memory_space<hbm>> -> memref<40x128xi32, #tpu.memory_space<hbm>>
      tpu.wait_dma2 semaphore(%run_scoped3A : memref<!tpu.dma_semaphore, #tpu.memory_space<semaphore_mem>>) src(%dma_wait3A_40 : memref<40x128xi32, #tpu.memory_space<hbm>>) dst(%arg8 : memref<40x128xi32, #tpu.memory_space<vmem>>)
      tpu.yield
    }) : () -> ()
    %barrier3A = arith.constant 0 : index
    tpu.barrier barrier_id(%barrier3A)
    %scan3A = arith.constant 0 : i32
    %scan3A_3 = arith.constant 0 : i32
    %scan3A_4 = arith.constant 40 : i32
    %scan3A_5 = arith.addi %scan3A_3, %scan3A_4 : i32
    %scan3A_6 = arith.constant 1 : i32
    scf.for %scan3A_27 = %scan3A_3 to %scan3A_5 step %scan3A_6  : i32 {
      %dma_start3A = arith.constant 0 : i32
      %dma_start3A_28 = arith.constant 0 : i32
      %dma_start3A_29 = tpu.memref_slice %arg9[%scan3A_27, %dma_start3A, %dma_start3A_28] : memref<40x128x16xf32, #tpu.memory_space<vmem>> -> memref<1x128x16xf32, #tpu.memory_space<vmem>>
      %dma_start3A_30 = tpu.memref_squeeze %dma_start3A_29 : memref<1x128x16xf32, #tpu.memory_space<vmem>> -> memref<128x16xf32, #tpu.memory_space<vmem>>
      %dma_start3A_31 = arith.constant 0 : i32
      %dma_start3A_32 = tpu.memref_slice %arg7[%scan3A_27, %dma_start3A_31] : memref<40x128xi32, #tpu.memory_space<vmem>> -> memref<1x128xi32, #tpu.memory_space<vmem>>
      %dma_start3A_33 = tpu.memref_squeeze %dma_start3A_32 : memref<1x128xi32, #tpu.memory_space<vmem>> -> memref<128xi32, #tpu.memory_space<vmem>>
      %dma_start3A_34 = arith.constant 0 : i32
      %dma_start3A_35 = arith.constant 0 : i32
      %dma_start3A_36 = tpu.memref_slice %arg2[%dma_start3A_34, %dma_start3A_35] : memref<10000x16xf32, #tpu.memory_space<hbm>> -> memref<10000x16xf32, #tpu.memory_space<hbm>>
      tpu.enqueue_indirect_dma source(%dma_start3A_36 : memref<10000x16xf32, #tpu.memory_space<hbm>>) target(%dma_start3A_30 : memref<128x16xf32, #tpu.memory_space<vmem>>) offsets(%dma_start3A_33 : memref<128xi32, #tpu.memory_space<vmem>>) semaphore(%arg11 : memref<!tpu.dma_semaphore, #tpu.memory_space<semaphore_mem>>)
    }
    %scan3A_7 = arith.constant 40 : i32
    %scan3A_8 = arith.constant 0 : i32
    %scan3A_9 = arith.constant 0 : i32
    %scan3A_10 = arith.constant 40 : i32
    %scan3A_11 = arith.addi %scan3A_9, %scan3A_10 : i32
    %scan3A_12 = arith.constant 1 : i32
    scf.for %scan3A_27 = %scan3A_9 to %scan3A_11 step %scan3A_12  : i32 {
      %dma_wait3A = arith.constant 0 : i32
      %dma_wait3A_28 = arith.constant 0 : i32
      %dma_wait3A_29 = tpu.memref_slice %arg9[%scan3A_27, %dma_wait3A, %dma_wait3A_28] : memref<40x128x16xf32, #tpu.memory_space<vmem>> -> memref<1x128x16xf32, #tpu.memory_space<vmem>>
      %dma_wait3A_30 = tpu.memref_squeeze %dma_wait3A_29 : memref<1x128x16xf32, #tpu.memory_space<vmem>> -> memref<128x16xf32, #tpu.memory_space<vmem>>
      %dma_wait3A_31 = arith.constant 0 : i32
      %dma_wait3A_32 = tpu.memref_slice %arg7[%scan3A_27, %dma_wait3A_31] : memref<40x128xi32, #tpu.memory_space<vmem>> -> memref<1x128xi32, #tpu.memory_space<vmem>>
      %dma_wait3A_33 = tpu.memref_squeeze %dma_wait3A_32 : memref<1x128xi32, #tpu.memory_space<vmem>> -> memref<128xi32, #tpu.memory_space<vmem>>
      %dma_wait3A_34 = arith.constant 0 : i32
      %dma_wait3A_35 = arith.constant 0 : i32
      %dma_wait3A_36 = tpu.memref_slice %arg2[%dma_wait3A_34, %dma_wait3A_35] : memref<10000x16xf32, #tpu.memory_space<hbm>> -> memref<10000x16xf32, #tpu.memory_space<hbm>>
      tpu.wait_indirect_dma semaphore(%arg11 : memref<!tpu.dma_semaphore, #tpu.memory_space<semaphore_mem>>) src(%dma_wait3A_36 : memref<10000x16xf32, #tpu.memory_space<hbm>>) dst(%dma_wait3A_30 : memref<128x16xf32, #tpu.memory_space<vmem>>)
    }
    %scan3A_13 = arith.constant 40 : i32
    %scan3A_14 = arith.constant 0 : i32
    %scan3A_15 = arith.constant 0 : i32
    %scan3A_16 = arith.constant 40 : i32
    %scan3A_17 = arith.addi %scan3A_15, %scan3A_16 : i32
    %scan3A_18 = arith.constant 1 : i32
    scf.for %scan3A_27 = %scan3A_15 to %scan3A_17 step %scan3A_18  : i32 {
      %dma_start3A = arith.constant 0 : i32
      %dma_start3A_28 = arith.constant 0 : i32
      %dma_start3A_29 = tpu.memref_slice %arg9[%scan3A_27, %dma_start3A, %dma_start3A_28] : memref<40x128x16xf32, #tpu.memory_space<vmem>> -> memref<1x128x16xf32, #tpu.memory_space<vmem>>
      %dma_start3A_30 = tpu.memref_squeeze %dma_start3A_29 : memref<1x128x16xf32, #tpu.memory_space<vmem>> -> memref<128x16xf32, #tpu.memory_space<vmem>>
      %dma_start3A_31 = arith.constant 0 : i32
      %dma_start3A_32 = tpu.memref_slice %arg8[%scan3A_27, %dma_start3A_31] : memref<40x128xi32, #tpu.memory_space<vmem>> -> memref<1x128xi32, #tpu.memory_space<vmem>>
      %dma_start3A_33 = tpu.memref_squeeze %dma_start3A_32 : memref<1x128xi32, #tpu.memory_space<vmem>> -> memref<128xi32, #tpu.memory_space<vmem>>
      %dma_start3A_34 = arith.constant 0 : i32
      %dma_start3A_35 = arith.constant 0 : i32
      %dma_start3A_36 = tpu.memref_slice %arg10[%dma_start3A_34, %dma_start3A_35] : memref<10240x16xf32, #tpu.memory_space<vmem_shared>> -> memref<10240x16xf32, #tpu.memory_space<vmem_shared>>
      tpu.enqueue_indirect_dma source(%dma_start3A_30 : memref<128x16xf32, #tpu.memory_space<vmem>>) target(%dma_start3A_36 : memref<10240x16xf32, #tpu.memory_space<vmem_shared>>) offsets(%dma_start3A_33 : memref<128xi32, #tpu.memory_space<vmem>>) semaphore(%arg12 : memref<!tpu.dma_semaphore, #tpu.memory_space<semaphore_mem>>) {add = true}
    }
    %scan3A_19 = arith.constant 40 : i32
    %scan3A_20 = arith.constant 0 : i32
    %scan3A_21 = arith.constant 0 : i32
    %scan3A_22 = arith.constant 40 : i32
    %scan3A_23 = arith.addi %scan3A_21, %scan3A_22 : i32
    %scan3A_24 = arith.constant 1 : i32
    scf.for %scan3A_27 = %scan3A_21 to %scan3A_23 step %scan3A_24  : i32 {
      %dma_wait3A = arith.constant 0 : i32
      %dma_wait3A_28 = arith.constant 0 : i32
      %dma_wait3A_29 = tpu.memref_slice %arg9[%scan3A_27, %dma_wait3A, %dma_wait3A_28] : memref<40x128x16xf32, #tpu.memory_space<vmem>> -> memref<1x128x16xf32, #tpu.memory_space<vmem>>
      %dma_wait3A_30 = tpu.memref_squeeze %dma_wait3A_29 : memref<1x128x16xf32, #tpu.memory_space<vmem>> -> memref<128x16xf32, #tpu.memory_space<vmem>>
      %dma_wait3A_31 = arith.constant 0 : i32
      %dma_wait3A_32 = tpu.memref_slice %arg8[%scan3A_27, %dma_wait3A_31] : memref<40x128xi32, #tpu.memory_space<vmem>> -> memref<1x128xi32, #tpu.memory_space<vmem>>
      %dma_wait3A_33 = tpu.memref_squeeze %dma_wait3A_32 : memref<1x128xi32, #tpu.memory_space<vmem>> -> memref<128xi32, #tpu.memory_space<vmem>>
      %dma_wait3A_34 = arith.constant 0 : i32
      %dma_wait3A_35 = arith.constant 0 : i32
      %dma_wait3A_36 = tpu.memref_slice %arg10[%dma_wait3A_34, %dma_wait3A_35] : memref<10240x16xf32, #tpu.memory_space<vmem_shared>> -> memref<10240x16xf32, #tpu.memory_space<vmem_shared>>
      tpu.wait_indirect_dma semaphore(%arg12 : memref<!tpu.dma_semaphore, #tpu.memory_space<semaphore_mem>>) src(%dma_wait3A_30 : memref<128x16xf32, #tpu.memory_space<vmem>>) dst(%dma_wait3A_36 : memref<10240x16xf32, #tpu.memory_space<vmem_shared>>)
    }
    %scan3A_25 = arith.constant 40 : i32
    %barrier3A_26 = arith.constant 0 : index
    tpu.barrier barrier_id(%barrier3A_26)
    "tpu.region"() ({
      %run_scoped3A = tpu.sem_alloc : memref<!tpu.dma_semaphore, #tpu.memory_space<semaphore_mem>>
      %dma_start3A = arith.constant 0 : i32
      %dma_start3A_27 = tpu.memref_slice %arg6[%arg0, %mul3A_2, %dma_start3A] : memref<2x10240x16xf32, #tpu.memory_space<hbm>> -> memref<1x640x16xf32, #tpu.memory_space<hbm>>
      %dma_start3A_28 = tpu.memref_squeeze %dma_start3A_27 : memref<1x640x16xf32, #tpu.memory_space<hbm>> -> memref<640x16xf32, #tpu.memory_space<hbm>>
      %dma_start3A_29 = arith.constant 0 : i32
      %dma_start3A_30 = tpu.memref_slice %arg10[%mul3A_2, %dma_start3A_29] : memref<10240x16xf32, #tpu.memory_space<vmem_shared>> -> memref<640x16xf32, #tpu.memory_space<vmem_shared>>
      tpu.enqueue_dma source(%dma_start3A_30 : memref<640x16xf32, #tpu.memory_space<vmem_shared>>) target(%dma_start3A_28 : memref<640x16xf32, #tpu.memory_space<hbm>>) target_semaphore(%run_scoped3A : memref<!tpu.dma_semaphore, #tpu.memory_space<semaphore_mem>>)
      %dma_wait3A = arith.constant 0 : i32
      %dma_wait3A_31 = tpu.memref_slice %arg6[%arg0, %mul3A_2, %dma_wait3A] : memref<2x10240x16xf32, #tpu.memory_space<hbm>> -> memref<1x640x16xf32, #tpu.memory_space<hbm>>
      %dma_wait3A_32 = tpu.memref_squeeze %dma_wait3A_31 : memref<1x640x16xf32, #tpu.memory_space<hbm>> -> memref<640x16xf32, #tpu.memory_space<hbm>>
      %dma_wait3A_33 = arith.constant 0 : i32
      %dma_wait3A_34 = tpu.memref_slice %arg10[%mul3A_2, %dma_wait3A_33] : memref<10240x16xf32, #tpu.memory_space<vmem_shared>> -> memref<640x16xf32, #tpu.memory_space<vmem_shared>>
      tpu.wait_dma2 semaphore(%run_scoped3A : memref<!tpu.dma_semaphore, #tpu.memory_space<semaphore_mem>>) src(%dma_wait3A_34 : memref<640x16xf32, #tpu.memory_space<vmem_shared>>) dst(%dma_wait3A_32 : memref<640x16xf32, #tpu.memory_space<hbm>>)
      tpu.yield
    }) : () -> ()
    return
  }
}

#map = affine_map<(d0, d1) -> (0, 0)>
#map1 = affine_map<(d0, d1) -> (0, 0, 0)>
module attributes {stable_mosaic.version = 14 : i64} {
  func.func @k(%arg0: i32, %arg1: i32, %arg2: memref<10240x16xf32, #tpu.memory_space<hbm>>, %arg3: memref<32x40x128xi32, #tpu.memory_space<hbm>>, %arg4: memref<32x40x128xi32, #tpu.memory_space<hbm>>, %arg5: memref<10240x16xf32, #tpu.memory_space<hbm>>, %arg6: memref<2x10240x16xf32, #tpu.memory_space<hbm>>, %arg7: memref<40x128xi32, #tpu.memory_space<vmem>>, %arg8: memref<40x128xi32, #tpu.memory_space<vmem>>, %arg9: memref<40x128x16xf32, #tpu.memory_space<vmem>>, %arg10: memref<10240x16xf32, #tpu.memory_space<vmem_shared>>, %arg11: memref<!tpu.dma_semaphore, #tpu.memory_space<semaphore_mem>>, %arg12: memref<!tpu.dma_semaphore, #tpu.memory_space<semaphore_mem>>) attributes {dimension_semantics = [#tpu.dimension_semantics<core_parallel>, #tpu.dimension_semantics<subcore_parallel>], iteration_bounds = array<i64: 2, 16>, scalar_prefetch = 0 : i64, scratch_operands = 6 : i64, tpu.core_type = #tpu.core_type<sc_vector_subcore>, window_params = [{transform_indices = #map}, {transform_indices = #map1}, {transform_indices = #map1}, {transform_indices = #map}, {transform_indices = #map1}]} {
    %mul3A = arith.constant 16 : i32
    %mul3A_0 = arith.muli %arg0, %mul3A : i32
    %add3A = arith.addi %mul3A_0, %arg1 : i32
    %mul3A_1 = arith.constant 640 : i32
    %mul3A_2 = arith.muli %arg1, %mul3A_1 : i32
    "tpu.region"() ({
      %run_scoped3A = tpu.sem_alloc : memref<!tpu.dma_semaphore, #tpu.memory_space<semaphore_mem>>
      %dma_start3A = arith.constant 0 : i32
      %dma_start3A_27 = tpu.memref_slice %arg10[%mul3A_2, %dma_start3A] : memref<10240x16xf32, #tpu.memory_space<vmem_shared>> -> memref<640x16xf32, #tpu.memory_space<vmem_shared>>
      %dma_start3A_28 = arith.constant 0 : i32
      %dma_start3A_29 = tpu.memref_slice %arg5[%mul3A_2, %dma_start3A_28] : memref<10240x16xf32, #tpu.memory_space<hbm>> -> memref<640x16xf32, #tpu.memory_space<hbm>>
      tpu.enqueue_dma source(%dma_start3A_29 : memref<640x16xf32, #tpu.memory_space<hbm>>) target(%dma_start3A_27 : memref<640x16xf32, #tpu.memory_space<vmem_shared>>) target_semaphore(%run_scoped3A : memref<!tpu.dma_semaphore, #tpu.memory_space<semaphore_mem>>)
      %dma_wait3A = arith.constant 0 : i32
      %dma_wait3A_30 = tpu.memref_slice %arg10[%mul3A_2, %dma_wait3A] : memref<10240x16xf32, #tpu.memory_space<vmem_shared>> -> memref<640x16xf32, #tpu.memory_space<vmem_shared>>
      %dma_wait3A_31 = arith.constant 0 : i32
      %dma_wait3A_32 = tpu.memref_slice %arg5[%mul3A_2, %dma_wait3A_31] : memref<10240x16xf32, #tpu.memory_space<hbm>> -> memref<640x16xf32, #tpu.memory_space<hbm>>
      tpu.wait_dma2 semaphore(%run_scoped3A : memref<!tpu.dma_semaphore, #tpu.memory_space<semaphore_mem>>) src(%dma_wait3A_32 : memref<640x16xf32, #tpu.memory_space<hbm>>) dst(%dma_wait3A_30 : memref<640x16xf32, #tpu.memory_space<vmem_shared>>)
      tpu.yield
    }) : () -> ()
    "tpu.region"() ({
      %run_scoped3A = tpu.sem_alloc : memref<!tpu.dma_semaphore, #tpu.memory_space<semaphore_mem>>
      %dma_start3A = arith.constant 0 : i32
      %dma_start3A_27 = arith.constant 0 : i32
      %dma_start3A_28 = tpu.memref_slice %arg3[%add3A, %dma_start3A, %dma_start3A_27] : memref<32x40x128xi32, #tpu.memory_space<hbm>> -> memref<1x40x128xi32, #tpu.memory_space<hbm>>
      %dma_start3A_29 = tpu.memref_squeeze %dma_start3A_28 : memref<1x40x128xi32, #tpu.memory_space<hbm>> -> memref<40x128xi32, #tpu.memory_space<hbm>>
      %dma_start3A_30 = arith.constant 0 : i32
      %dma_start3A_31 = arith.constant 0 : i32
      %dma_start3A_32 = tpu.memref_slice %arg3[%add3A, %dma_start3A_30, %dma_start3A_31] : memref<32x40x128xi32, #tpu.memory_space<hbm>> -> memref<1x40x128xi32, #tpu.memory_space<hbm>>
      %dma_start3A_33 = tpu.memref_squeeze %dma_start3A_32 : memref<1x40x128xi32, #tpu.memory_space<hbm>> -> memref<40x128xi32, #tpu.memory_space<hbm>>
      tpu.enqueue_dma source(%dma_start3A_33 : memref<40x128xi32, #tpu.memory_space<hbm>>) target(%arg7 : memref<40x128xi32, #tpu.memory_space<vmem>>) target_semaphore(%run_scoped3A : memref<!tpu.dma_semaphore, #tpu.memory_space<semaphore_mem>>)
      %dma_wait3A = arith.constant 0 : i32
      %dma_wait3A_34 = arith.constant 0 : i32
      %dma_wait3A_35 = tpu.memref_slice %arg3[%add3A, %dma_wait3A, %dma_wait3A_34] : memref<32x40x128xi32, #tpu.memory_space<hbm>> -> memref<1x40x128xi32, #tpu.memory_space<hbm>>
      %dma_wait3A_36 = tpu.memref_squeeze %dma_wait3A_35 : memref<1x40x128xi32, #tpu.memory_space<hbm>> -> memref<40x128xi32, #tpu.memory_space<hbm>>
      %dma_wait3A_37 = arith.constant 0 : i32
      %dma_wait3A_38 = arith.constant 0 : i32
      %dma_wait3A_39 = tpu.memref_slice %arg3[%add3A, %dma_wait3A_37, %dma_wait3A_38] : memref<32x40x128xi32, #tpu.memory_space<hbm>> -> memref<1x40x128xi32, #tpu.memory_space<hbm>>
      %dma_wait3A_40 = tpu.memref_squeeze %dma_wait3A_39 : memref<1x40x128xi32, #tpu.memory_space<hbm>> -> memref<40x128xi32, #tpu.memory_space<hbm>>
      tpu.wait_dma2 semaphore(%run_scoped3A : memref<!tpu.dma_semaphore, #tpu.memory_space<semaphore_mem>>) src(%dma_wait3A_40 : memref<40x128xi32, #tpu.memory_space<hbm>>) dst(%arg7 : memref<40x128xi32, #tpu.memory_space<vmem>>)
      tpu.yield
    }) : () -> ()
    "tpu.region"() ({
      %run_scoped3A = tpu.sem_alloc : memref<!tpu.dma_semaphore, #tpu.memory_space<semaphore_mem>>
      %dma_start3A = arith.constant 0 : i32
      %dma_start3A_27 = arith.constant 0 : i32
      %dma_start3A_28 = tpu.memref_slice %arg4[%add3A, %dma_start3A, %dma_start3A_27] : memref<32x40x128xi32, #tpu.memory_space<hbm>> -> memref<1x40x128xi32, #tpu.memory_space<hbm>>
      %dma_start3A_29 = tpu.memref_squeeze %dma_start3A_28 : memref<1x40x128xi32, #tpu.memory_space<hbm>> -> memref<40x128xi32, #tpu.memory_space<hbm>>
      %dma_start3A_30 = arith.constant 0 : i32
      %dma_start3A_31 = arith.constant 0 : i32
      %dma_start3A_32 = tpu.memref_slice %arg4[%add3A, %dma_start3A_30, %dma_start3A_31] : memref<32x40x128xi32, #tpu.memory_space<hbm>> -> memref<1x40x128xi32, #tpu.memory_space<hbm>>
      %dma_start3A_33 = tpu.memref_squeeze %dma_start3A_32 : memref<1x40x128xi32, #tpu.memory_space<hbm>> -> memref<40x128xi32, #tpu.memory_space<hbm>>
      tpu.enqueue_dma source(%dma_start3A_33 : memref<40x128xi32, #tpu.memory_space<hbm>>) target(%arg8 : memref<40x128xi32, #tpu.memory_space<vmem>>) target_semaphore(%run_scoped3A : memref<!tpu.dma_semaphore, #tpu.memory_space<semaphore_mem>>)
      %dma_wait3A = arith.constant 0 : i32
      %dma_wait3A_34 = arith.constant 0 : i32
      %dma_wait3A_35 = tpu.memref_slice %arg4[%add3A, %dma_wait3A, %dma_wait3A_34] : memref<32x40x128xi32, #tpu.memory_space<hbm>> -> memref<1x40x128xi32, #tpu.memory_space<hbm>>
      %dma_wait3A_36 = tpu.memref_squeeze %dma_wait3A_35 : memref<1x40x128xi32, #tpu.memory_space<hbm>> -> memref<40x128xi32, #tpu.memory_space<hbm>>
      %dma_wait3A_37 = arith.constant 0 : i32
      %dma_wait3A_38 = arith.constant 0 : i32
      %dma_wait3A_39 = tpu.memref_slice %arg4[%add3A, %dma_wait3A_37, %dma_wait3A_38] : memref<32x40x128xi32, #tpu.memory_space<hbm>> -> memref<1x40x128xi32, #tpu.memory_space<hbm>>
      %dma_wait3A_40 = tpu.memref_squeeze %dma_wait3A_39 : memref<1x40x128xi32, #tpu.memory_space<hbm>> -> memref<40x128xi32, #tpu.memory_space<hbm>>
      tpu.wait_dma2 semaphore(%run_scoped3A : memref<!tpu.dma_semaphore, #tpu.memory_space<semaphore_mem>>) src(%dma_wait3A_40 : memref<40x128xi32, #tpu.memory_space<hbm>>) dst(%arg8 : memref<40x128xi32, #tpu.memory_space<vmem>>)
      tpu.yield
    }) : () -> ()
    %barrier3A = arith.constant 0 : index
    tpu.barrier barrier_id(%barrier3A)
    %scan3A = arith.constant 0 : i32
    %scan3A_3 = arith.constant 0 : i32
    %scan3A_4 = arith.constant 40 : i32
    %scan3A_5 = arith.addi %scan3A_3, %scan3A_4 : i32
    %scan3A_6 = arith.constant 1 : i32
    scf.for %scan3A_27 = %scan3A_3 to %scan3A_5 step %scan3A_6  : i32 {
      %dma_start3A = arith.constant 0 : i32
      %dma_start3A_28 = arith.constant 0 : i32
      %dma_start3A_29 = tpu.memref_slice %arg9[%scan3A_27, %dma_start3A, %dma_start3A_28] : memref<40x128x16xf32, #tpu.memory_space<vmem>> -> memref<1x128x16xf32, #tpu.memory_space<vmem>>
      %dma_start3A_30 = tpu.memref_squeeze %dma_start3A_29 : memref<1x128x16xf32, #tpu.memory_space<vmem>> -> memref<128x16xf32, #tpu.memory_space<vmem>>
      %dma_start3A_31 = arith.constant 0 : i32
      %dma_start3A_32 = tpu.memref_slice %arg7[%scan3A_27, %dma_start3A_31] : memref<40x128xi32, #tpu.memory_space<vmem>> -> memref<1x128xi32, #tpu.memory_space<vmem>>
      %dma_start3A_33 = tpu.memref_squeeze %dma_start3A_32 : memref<1x128xi32, #tpu.memory_space<vmem>> -> memref<128xi32, #tpu.memory_space<vmem>>
      %dma_start3A_34 = arith.constant 0 : i32
      %dma_start3A_35 = arith.constant 0 : i32
      %dma_start3A_36 = tpu.memref_slice %arg2[%dma_start3A_34, %dma_start3A_35] : memref<10240x16xf32, #tpu.memory_space<hbm>> -> memref<10240x16xf32, #tpu.memory_space<hbm>>
      tpu.enqueue_indirect_dma source(%dma_start3A_36 : memref<10240x16xf32, #tpu.memory_space<hbm>>) target(%dma_start3A_30 : memref<128x16xf32, #tpu.memory_space<vmem>>) offsets(%dma_start3A_33 : memref<128xi32, #tpu.memory_space<vmem>>) semaphore(%arg11 : memref<!tpu.dma_semaphore, #tpu.memory_space<semaphore_mem>>)
    }
    %scan3A_7 = arith.constant 40 : i32
    %scan3A_8 = arith.constant 0 : i32
    %scan3A_9 = arith.constant 0 : i32
    %scan3A_10 = arith.constant 40 : i32
    %scan3A_11 = arith.addi %scan3A_9, %scan3A_10 : i32
    %scan3A_12 = arith.constant 1 : i32
    scf.for %scan3A_27 = %scan3A_9 to %scan3A_11 step %scan3A_12  : i32 {
      %dma_wait3A = arith.constant 0 : i32
      %dma_wait3A_28 = arith.constant 0 : i32
      %dma_wait3A_29 = tpu.memref_slice %arg9[%scan3A_27, %dma_wait3A, %dma_wait3A_28] : memref<40x128x16xf32, #tpu.memory_space<vmem>> -> memref<1x128x16xf32, #tpu.memory_space<vmem>>
      %dma_wait3A_30 = tpu.memref_squeeze %dma_wait3A_29 : memref<1x128x16xf32, #tpu.memory_space<vmem>> -> memref<128x16xf32, #tpu.memory_space<vmem>>
      %dma_wait3A_31 = arith.constant 0 : i32
      %dma_wait3A_32 = tpu.memref_slice %arg7[%scan3A_27, %dma_wait3A_31] : memref<40x128xi32, #tpu.memory_space<vmem>> -> memref<1x128xi32, #tpu.memory_space<vmem>>
      %dma_wait3A_33 = tpu.memref_squeeze %dma_wait3A_32 : memref<1x128xi32, #tpu.memory_space<vmem>> -> memref<128xi32, #tpu.memory_space<vmem>>
      %dma_wait3A_34 = arith.constant 0 : i32
      %dma_wait3A_35 = arith.constant 0 : i32
      %dma_wait3A_36 = tpu.memref_slice %arg2[%dma_wait3A_34, %dma_wait3A_35] : memref<10240x16xf32, #tpu.memory_space<hbm>> -> memref<10240x16xf32, #tpu.memory_space<hbm>>
      tpu.wait_indirect_dma semaphore(%arg11 : memref<!tpu.dma_semaphore, #tpu.memory_space<semaphore_mem>>) src(%dma_wait3A_36 : memref<10240x16xf32, #tpu.memory_space<hbm>>) dst(%dma_wait3A_30 : memref<128x16xf32, #tpu.memory_space<vmem>>)
    }
    %scan3A_13 = arith.constant 40 : i32
    %scan3A_14 = arith.constant 0 : i32
    %scan3A_15 = arith.constant 0 : i32
    %scan3A_16 = arith.constant 40 : i32
    %scan3A_17 = arith.addi %scan3A_15, %scan3A_16 : i32
    %scan3A_18 = arith.constant 1 : i32
    scf.for %scan3A_27 = %scan3A_15 to %scan3A_17 step %scan3A_18  : i32 {
      %dma_start3A = arith.constant 0 : i32
      %dma_start3A_28 = arith.constant 0 : i32
      %dma_start3A_29 = tpu.memref_slice %arg9[%scan3A_27, %dma_start3A, %dma_start3A_28] : memref<40x128x16xf32, #tpu.memory_space<vmem>> -> memref<1x128x16xf32, #tpu.memory_space<vmem>>
      %dma_start3A_30 = tpu.memref_squeeze %dma_start3A_29 : memref<1x128x16xf32, #tpu.memory_space<vmem>> -> memref<128x16xf32, #tpu.memory_space<vmem>>
      %dma_start3A_31 = arith.constant 0 : i32
      %dma_start3A_32 = tpu.memref_slice %arg8[%scan3A_27, %dma_start3A_31] : memref<40x128xi32, #tpu.memory_space<vmem>> -> memref<1x128xi32, #tpu.memory_space<vmem>>
      %dma_start3A_33 = tpu.memref_squeeze %dma_start3A_32 : memref<1x128xi32, #tpu.memory_space<vmem>> -> memref<128xi32, #tpu.memory_space<vmem>>
      %dma_start3A_34 = arith.constant 0 : i32
      %dma_start3A_35 = arith.constant 0 : i32
      %dma_start3A_36 = tpu.memref_slice %arg10[%dma_start3A_34, %dma_start3A_35] : memref<10240x16xf32, #tpu.memory_space<vmem_shared>> -> memref<10240x16xf32, #tpu.memory_space<vmem_shared>>
      tpu.enqueue_indirect_dma source(%dma_start3A_30 : memref<128x16xf32, #tpu.memory_space<vmem>>) target(%dma_start3A_36 : memref<10240x16xf32, #tpu.memory_space<vmem_shared>>) offsets(%dma_start3A_33 : memref<128xi32, #tpu.memory_space<vmem>>) semaphore(%arg12 : memref<!tpu.dma_semaphore, #tpu.memory_space<semaphore_mem>>) {add = true}
    }
    %scan3A_19 = arith.constant 40 : i32
    %scan3A_20 = arith.constant 0 : i32
    %scan3A_21 = arith.constant 0 : i32
    %scan3A_22 = arith.constant 40 : i32
    %scan3A_23 = arith.addi %scan3A_21, %scan3A_22 : i32
    %scan3A_24 = arith.constant 1 : i32
    scf.for %scan3A_27 = %scan3A_21 to %scan3A_23 step %scan3A_24  : i32 {
      %dma_wait3A = arith.constant 0 : i32
      %dma_wait3A_28 = arith.constant 0 : i32
      %dma_wait3A_29 = tpu.memref_slice %arg9[%scan3A_27, %dma_wait3A, %dma_wait3A_28] : memref<40x128x16xf32, #tpu.memory_space<vmem>> -> memref<1x128x16xf32, #tpu.memory_space<vmem>>
      %dma_wait3A_30 = tpu.memref_squeeze %dma_wait3A_29 : memref<1x128x16xf32, #tpu.memory_space<vmem>> -> memref<128x16xf32, #tpu.memory_space<vmem>>
      %dma_wait3A_31 = arith.constant 0 : i32
      %dma_wait3A_32 = tpu.memref_slice %arg8[%scan3A_27, %dma_wait3A_31] : memref<40x128xi32, #tpu.memory_space<vmem>> -> memref<1x128xi32, #tpu.memory_space<vmem>>
      %dma_wait3A_33 = tpu.memref_squeeze %dma_wait3A_32 : memref<1x128xi32, #tpu.memory_space<vmem>> -> memref<128xi32, #tpu.memory_space<vmem>>
      %dma_wait3A_34 = arith.constant 0 : i32
      %dma_wait3A_35 = arith.constant 0 : i32
      %dma_wait3A_36 = tpu.memref_slice %arg10[%dma_wait3A_34, %dma_wait3A_35] : memref<10240x16xf32, #tpu.memory_space<vmem_shared>> -> memref<10240x16xf32, #tpu.memory_space<vmem_shared>>
      tpu.wait_indirect_dma semaphore(%arg12 : memref<!tpu.dma_semaphore, #tpu.memory_space<semaphore_mem>>) src(%dma_wait3A_30 : memref<128x16xf32, #tpu.memory_space<vmem>>) dst(%dma_wait3A_36 : memref<10240x16xf32, #tpu.memory_space<vmem_shared>>)
    }
    %scan3A_25 = arith.constant 40 : i32
    %barrier3A_26 = arith.constant 0 : index
    tpu.barrier barrier_id(%barrier3A_26)
    "tpu.region"() ({
      %run_scoped3A = tpu.sem_alloc : memref<!tpu.dma_semaphore, #tpu.memory_space<semaphore_mem>>
      %dma_start3A = arith.constant 0 : i32
      %dma_start3A_27 = tpu.memref_slice %arg6[%arg0, %mul3A_2, %dma_start3A] : memref<2x10240x16xf32, #tpu.memory_space<hbm>> -> memref<1x640x16xf32, #tpu.memory_space<hbm>>
      %dma_start3A_28 = tpu.memref_squeeze %dma_start3A_27 : memref<1x640x16xf32, #tpu.memory_space<hbm>> -> memref<640x16xf32, #tpu.memory_space<hbm>>
      %dma_start3A_29 = arith.constant 0 : i32
      %dma_start3A_30 = tpu.memref_slice %arg10[%mul3A_2, %dma_start3A_29] : memref<10240x16xf32, #tpu.memory_space<vmem_shared>> -> memref<640x16xf32, #tpu.memory_space<vmem_shared>>
      tpu.enqueue_dma source(%dma_start3A_30 : memref<640x16xf32, #tpu.memory_space<vmem_shared>>) target(%dma_start3A_28 : memref<640x16xf32, #tpu.memory_space<hbm>>) target_semaphore(%run_scoped3A : memref<!tpu.dma_semaphore, #tpu.memory_space<semaphore_mem>>)
      %dma_wait3A = arith.constant 0 : i32
      %dma_wait3A_31 = tpu.memref_slice %arg6[%arg0, %mul3A_2, %dma_wait3A] : memref<2x10240x16xf32, #tpu.memory_space<hbm>> -> memref<1x640x16xf32, #tpu.memory_space<hbm>>
      %dma_wait3A_32 = tpu.memref_squeeze %dma_wait3A_31 : memref<1x640x16xf32, #tpu.memory_space<hbm>> -> memref<640x16xf32, #tpu.memory_space<hbm>>
      %dma_wait3A_33 = arith.constant 0 : i32
      %dma_wait3A_34 = tpu.memref_slice %arg10[%mul3A_2, %dma_wait3A_33] : memref<10240x16xf32, #tpu.memory_space<vmem_shared>> -> memref<640x16xf32, #tpu.memory_space<vmem_shared>>
      tpu.wait_dma2 semaphore(%run_scoped3A : memref<!tpu.dma_semaphore, #tpu.memory_space<semaphore_mem>>) src(%dma_wait3A_34 : memref<640x16xf32, #tpu.memory_space<vmem_shared>>) dst(%dma_wait3A_32 : memref<640x16xf32, #tpu.memory_space<hbm>>)
      tpu.yield
    }) : () -> ()
    return
  }
}

module attributes {stable_mosaic.version = 14 : i64} {
  func.func @_mm1_body(%arg0: i32, %arg1: memref<1000x1433xf32, #tpu.memory_space<vmem>>, %arg2: memref<1433x16xf32, #tpu.memory_space<vmem>>, %arg3: memref<1000x16xf32, #tpu.memory_space<vmem>>) attributes {dimension_semantics = [#tpu.dimension_semantics<arbitrary>], iteration_bounds = array<i64: 10>, scalar_prefetch = 0 : i64, scratch_operands = 0 : i64, tpu.core_type = #tpu.core_type<tc>, window_params = [{transform_indices = @transform_0, window_bounds = array<i64: 1000, 1433>}, {transform_indices = @transform_1, window_bounds = array<i64: 1433, 16>}, {transform_indices = @transform_2, window_bounds = array<i64: 1000, 16>}]} {
    %get3A = arith.constant 0 : index
    %get3A_0 = arith.constant 0 : index
    %get3A_1 = vector.load %arg1[%get3A, %get3A_0] : memref<1000x1433xf32, #tpu.memory_space<vmem>>, vector<1000x1433xf32>
    %get3A_2 = arith.constant 0 : index
    %get3A_3 = arith.constant 0 : index
    %get3A_4 = vector.load %arg2[%get3A_2, %get3A_3] : memref<1433x16xf32, #tpu.memory_space<vmem>>, vector<1433x16xf32>
    %dot_general3A = arith.constant dense<0.000000e+00> : vector<1000x16xf32>
    %dot_general3A_5 = tpu.matmul %get3A_1, %get3A_4, %dot_general3A {dimension_numbers = #tpu.dot_dimension_numbers<[1], [0], [0], [1], [0, 0, 1, 1], [], []>, precision = #tpu.contract_precision<fp32>, transpose_lhs_hint = false} : vector<1000x1433xf32>, vector<1433x16xf32>, vector<1000x16xf32> -> vector<1000x16xf32>
    %swap3A = arith.constant 0 : index
    %swap3A_6 = arith.constant 0 : index
    %swap3A_7 = vector.load %arg3[%swap3A, %swap3A_6] : memref<1000x16xf32, #tpu.memory_space<vmem>>, vector<1000x16xf32>
    tpu.vector_store %arg3[%swap3A, %swap3A_6], %dot_general3A_5 {strides = array<i32>} : memref<1000x16xf32, #tpu.memory_space<vmem>>, vector<1000x16xf32>,
    return
  }
  func.func @transform_0(%arg0: i32) -> (i32, i32) {
    %mul3A = arith.constant 0 : i32
    %mul3A_0 = arith.muli %mul3A, %arg0 : i32
    %c0_i32 = arith.constant 0 : i32
    return %arg0, %mul3A_0 : i32, i32
  }
  func.func @transform_1(%arg0: i32) -> (i32, i32) {
    %mul3A = arith.constant 0 : i32
    %mul3A_0 = arith.muli %mul3A, %arg0 : i32
    %mul3A_1 = arith.constant 0 : i32
    %mul3A_2 = arith.muli %mul3A_1, %arg0 : i32
    %c0_i32 = arith.constant 0 : i32
    return %mul3A_0, %mul3A_2 : i32, i32
  }
  func.func @transform_2(%arg0: i32) -> (i32, i32) {
    %mul3A = arith.constant 0 : i32
    %mul3A_0 = arith.muli %mul3A, %arg0 : i32
    %c0_i32 = arith.constant 0 : i32
    return %arg0, %mul3A_0 : i32, i32
  }
}

module attributes {stable_mosaic.version = 14 : i64} {
  func.func @_mid_body(%arg0: i32, %arg1: memref<2x640x16xf32, #tpu.memory_space<vmem>>, %arg2: memref<1x16xf32, #tpu.memory_space<vmem>>, %arg3: memref<16x16xf32, #tpu.memory_space<vmem>>, %arg4: memref<640x16xf32, #tpu.memory_space<vmem>>, %arg5: memref<640x16xf32, #tpu.memory_space<vmem>>) attributes {dimension_semantics = [#tpu.dimension_semantics<arbitrary>], iteration_bounds = array<i64: 16>, scalar_prefetch = 0 : i64, scratch_operands = 0 : i64, tpu.core_type = #tpu.core_type<tc>, window_params = [{transform_indices = @transform_0, window_bounds = array<i64: 2, 640, 16>}, {transform_indices = @transform_1, window_bounds = array<i64: 1, 16>}, {transform_indices = @transform_2, window_bounds = array<i64: 16, 16>}, {transform_indices = @transform_3, window_bounds = array<i64: 640, 16>}, {transform_indices = @transform_4, window_bounds = array<i64: 640, 16>}]} {
    %get3A = arith.constant 0 : index
    %get3A_0 = arith.constant 0 : index
    %get3A_1 = arith.constant 0 : index
    %get3A_2 = vector.load %arg1[%get3A, %get3A_0, %get3A_1] : memref<2x640x16xf32, #tpu.memory_space<vmem>>, vector<1x640x16xf32>
    %get3A_3 = vector.shape_cast %get3A_2 : vector<1x640x16xf32> to vector<640x16xf32>
    %get3A_4 = arith.constant 1 : index
    %get3A_5 = arith.constant 0 : index
    %get3A_6 = arith.constant 0 : index
    %get3A_7 = vector.load %arg1[%get3A_4, %get3A_5, %get3A_6] : memref<2x640x16xf32, #tpu.memory_space<vmem>>, vector<1x640x16xf32>
    %get3A_8 = vector.shape_cast %get3A_7 : vector<1x640x16xf32> to vector<640x16xf32>
    %add3A = arith.addf %get3A_3, %get3A_8 : vector<640x16xf32>
    %get3A_9 = arith.constant 0 : index
    %get3A_10 = arith.constant 0 : index
    %get3A_11 = vector.load %arg2[%get3A_9, %get3A_10] : memref<1x16xf32, #tpu.memory_space<vmem>>, vector<1x16xf32>
    %add3A_12 = vector.broadcast %get3A_11 : vector<1x16xf32> to vector<640x16xf32>
    %add3A_13 = arith.addf %add3A, %add3A_12 : vector<640x16xf32>
    %max3A = arith.constant 0.000000e+00 : f32
    %max3A_14 = vector.broadcast %max3A : f32 to vector<640x16xf32>
    %max3A_15 = arith.maximumf %add3A_13, %max3A_14 : vector<640x16xf32>
    %swap3A = arith.constant 0 : index
    %swap3A_16 = arith.constant 0 : index
    %swap3A_17 = vector.load %arg4[%swap3A, %swap3A_16] : memref<640x16xf32, #tpu.memory_space<vmem>>, vector<640x16xf32>
    tpu.vector_store %arg4[%swap3A, %swap3A_16], %max3A_15 {strides = array<i32>} : memref<640x16xf32, #tpu.memory_space<vmem>>, vector<640x16xf32>,
    %get3A_18 = arith.constant 0 : index
    %get3A_19 = arith.constant 0 : index
    %get3A_20 = vector.load %arg3[%get3A_18, %get3A_19] : memref<16x16xf32, #tpu.memory_space<vmem>>, vector<16x16xf32>
    %dot_general3A = arith.constant dense<0.000000e+00> : vector<640x16xf32>
    %dot_general3A_21 = tpu.matmul %max3A_15, %get3A_20, %dot_general3A {dimension_numbers = #tpu.dot_dimension_numbers<[1], [0], [0], [1], [0, 0, 1, 1], [], []>, precision = #tpu.contract_precision<fp32>, transpose_lhs_hint = false} : vector<640x16xf32>, vector<16x16xf32>, vector<640x16xf32> -> vector<640x16xf32>
    %swap3A_22 = arith.constant 0 : index
    %swap3A_23 = arith.constant 0 : index
    %swap3A_24 = vector.load %arg5[%swap3A_22, %swap3A_23] : memref<640x16xf32, #tpu.memory_space<vmem>>, vector<640x16xf32>
    tpu.vector_store %arg5[%swap3A_22, %swap3A_23], %dot_general3A_21 {strides = array<i32>} : memref<640x16xf32, #tpu.memory_space<vmem>>, vector<640x16xf32>,
    return
  }
  func.func @transform_0(%arg0: i32) -> (i32, i32, i32) {
    %mul3A = arith.constant 0 : i32
    %mul3A_0 = arith.muli %mul3A, %arg0 : i32
    %mul3A_1 = arith.constant 0 : i32
    %mul3A_2 = arith.muli %mul3A_1, %arg0 : i32
    %c0_i32 = arith.constant 0 : i32
    return %mul3A_0, %arg0, %mul3A_2 : i32, i32, i32
  }
  func.func @transform_1(%arg0: i32) -> (i32, i32) {
    %mul3A = arith.constant 0 : i32
    %mul3A_0 = arith.muli %mul3A, %arg0 : i32
    %mul3A_1 = arith.constant 0 : i32
    %mul3A_2 = arith.muli %mul3A_1, %arg0 : i32
    %c0_i32 = arith.constant 0 : i32
    return %mul3A_0, %mul3A_2 : i32, i32
  }
  func.func @transform_2(%arg0: i32) -> (i32, i32) {
    %mul3A = arith.constant 0 : i32
    %mul3A_0 = arith.muli %mul3A, %arg0 : i32
    %mul3A_1 = arith.constant 0 : i32
    %mul3A_2 = arith.muli %mul3A_1, %arg0 : i32
    %c0_i32 = arith.constant 0 : i32
    return %mul3A_0, %mul3A_2 : i32, i32
  }
  func.func @transform_3(%arg0: i32) -> (i32, i32) {
    %mul3A = arith.constant 0 : i32
    %mul3A_0 = arith.muli %mul3A, %arg0 : i32
    %c0_i32 = arith.constant 0 : i32
    return %arg0, %mul3A_0 : i32, i32
  }
  func.func @transform_4(%arg0: i32) -> (i32, i32) {
    %mul3A = arith.constant 0 : i32
    %mul3A_0 = arith.muli %mul3A, %arg0 : i32
    %c0_i32 = arith.constant 0 : i32
    return %arg0, %mul3A_0 : i32, i32
  }
}

module attributes {stable_mosaic.version = 14 : i64} {
  func.func @_fin_body(%arg0: i32, %arg1: memref<2x640x16xf32, #tpu.memory_space<vmem>>, %arg2: memref<1x16xf32, #tpu.memory_space<vmem>>, %arg3: memref<640x16xf32, #tpu.memory_space<vmem>>) attributes {dimension_semantics = [#tpu.dimension_semantics<arbitrary>], iteration_bounds = array<i64: 16>, scalar_prefetch = 0 : i64, scratch_operands = 0 : i64, tpu.core_type = #tpu.core_type<tc>, window_params = [{transform_indices = @transform_0, window_bounds = array<i64: 2, 640, 16>}, {transform_indices = @transform_1, window_bounds = array<i64: 1, 16>}, {transform_indices = @transform_2, window_bounds = array<i64: 640, 16>}]} {
    %get3A = arith.constant 0 : index
    %get3A_0 = arith.constant 0 : index
    %get3A_1 = arith.constant 0 : index
    %get3A_2 = vector.load %arg1[%get3A, %get3A_0, %get3A_1] : memref<2x640x16xf32, #tpu.memory_space<vmem>>, vector<1x640x16xf32>
    %get3A_3 = vector.shape_cast %get3A_2 : vector<1x640x16xf32> to vector<640x16xf32>
    %get3A_4 = arith.constant 1 : index
    %get3A_5 = arith.constant 0 : index
    %get3A_6 = arith.constant 0 : index
    %get3A_7 = vector.load %arg1[%get3A_4, %get3A_5, %get3A_6] : memref<2x640x16xf32, #tpu.memory_space<vmem>>, vector<1x640x16xf32>
    %get3A_8 = vector.shape_cast %get3A_7 : vector<1x640x16xf32> to vector<640x16xf32>
    %add3A = arith.addf %get3A_3, %get3A_8 : vector<640x16xf32>
    %get3A_9 = arith.constant 0 : index
    %get3A_10 = arith.constant 0 : index
    %get3A_11 = vector.load %arg2[%get3A_9, %get3A_10] : memref<1x16xf32, #tpu.memory_space<vmem>>, vector<1x16xf32>
    %add3A_12 = vector.broadcast %get3A_11 : vector<1x16xf32> to vector<640x16xf32>
    %add3A_13 = arith.addf %add3A, %add3A_12 : vector<640x16xf32>
    %max3A = arith.constant 0.000000e+00 : f32
    %max3A_14 = vector.broadcast %max3A : f32 to vector<640x16xf32>
    %max3A_15 = arith.maximumf %add3A_13, %max3A_14 : vector<640x16xf32>
    %swap3A = arith.constant 0 : index
    %swap3A_16 = arith.constant 0 : index
    %swap3A_17 = vector.load %arg3[%swap3A, %swap3A_16] : memref<640x16xf32, #tpu.memory_space<vmem>>, vector<640x16xf32>
    tpu.vector_store %arg3[%swap3A, %swap3A_16], %max3A_15 {strides = array<i32>} : memref<640x16xf32, #tpu.memory_space<vmem>>, vector<640x16xf32>,
    return
  }
  func.func @transform_0(%arg0: i32) -> (i32, i32, i32) {
    %mul3A = arith.constant 0 : i32
    %mul3A_0 = arith.muli %mul3A, %arg0 : i32
    %mul3A_1 = arith.constant 0 : i32
    %mul3A_2 = arith.muli %mul3A_1, %arg0 : i32
    %c0_i32 = arith.constant 0 : i32
    return %mul3A_0, %arg0, %mul3A_2 : i32, i32, i32
  }
  func.func @transform_1(%arg0: i32) -> (i32, i32) {
    %mul3A = arith.constant 0 : i32
    %mul3A_0 = arith.muli %mul3A, %arg0 : i32
    %mul3A_1 = arith.constant 0 : i32
    %mul3A_2 = arith.muli %mul3A_1, %arg0 : i32
    %c0_i32 = arith.constant 0 : i32
    return %mul3A_0, %mul3A_2 : i32, i32
  }
  func.func @transform_2(%arg0: i32) -> (i32, i32) {
    %mul3A = arith.constant 0 : i32
    %mul3A_0 = arith.muli %mul3A, %arg0 : i32
    %c0_i32 = arith.constant 0 : i32
    return %arg0, %mul3A_0 : i32, i32
  }
}

</mosaic_0001>

<sc_bundles>
// kernel: kernel.10.cloned.1.call-start
scs
__scs_entry_jumppad:
0x0: {  	(pc) =	sbr.rel $0x88, $3  }
0x1: {  	(tag) =	ssettag $0x0;
	lr =	simm.s32 $0x1  }
0x2: {  	[smem:$0x3F9B] =	sst lr;
	_ =	strace $0xD0000000  }
0x3: {  	_ = 	snop  }
0x4: {  	_ = 	snop  }
0x5: {  	_ = 	snop  }
0x6: {  	_ = 	snop  }
0x7: {  	_ = 	snop  }
__scs_overlays_trampoline_lowered:
0x8: {  	[smem:$0x3FAA] =	sst s0  }
0x9: {  	[smem:$0x3FAB] =	sst s1  }
0xa: {  	[smem:$0x3FAC] =	sst s2  }
0xb: {  	[smem:$0x3FAD] =	sst s3  }
0xc: {  	[smem:$0x3FAE] =	sst s4  }
0xd: {  	[smem:$0x3FAF] =	sst s5  }
0xe: {  	[smem:$0x3FB0] =	sst s6  }
0xf: {  	[smem:$0x3FB1] =	sst s7  }
0x10: {  	[smem:$0x3FB2] =	sst s8  }
0x11: {  	[smem:$0x3FB3] =	sst s9;
	s0 =	simm.s32 @!p0 $0x0  }
0x12: {  	s1 =	sld [smem:$0x3F99];
	s0 =	simm.s32 @p0 $0x1  }
0x13: {  	[smem:$0x3FB4] =	sst s0;
	s0 =	simm.s32 @!p1 $0x0  }
0x14: {  	s2 =	sld [smem:$0x3F98];
	s0 =	simm.s32 @p1 $0x1  }
0x15: {  	[smem:$0x3FB5] =	sst s0;
	s0 =	simm.s32 @!p2 $0x0  }
0x16: {  	s3 =	sld [smem:$0x3FDB];
	s0 =	simm.s32 @p2 $0x1  }
0x17: {  	s4 =	simm.s32 $0x1BF5;
	[smem:$0x3FB7] =	sst s0  }
0x18: {  	s0 =	sld [smem:$0x3F9A];
	_ =	swait.ge [sflag:s4], $0x0  }
0x19: {  	s7 =	sld [smem:$0x3F9B]  }
0x1a: {  	s8 =	sadd.s32 $0xFFFFE003, lr  }
0x1b: {  	s9 =	sadd.s32 $0xFFFFFEF7, lr;
	s5 =	simm.s32 $0xFFFFFFFF;
	p2 =	slt.u32 s8, $0xFFFFF086  }
0x1c: {  	p1 =	slt.u32 s9, $0xF7A;
	s5 =	simm.s32 @!p2 $0x0  }
0x1d: {  	s5 =	simm.s32 @p1 $0x1;
	p0 =	seq.s32 s7, s2  }
0x1e: {  	s7 =	smul.u32 @!p0 $0xF7A, s2;
	p2 =	seq.s32 @!p0 s5, $0x0  }
0x1f: {  	s9 =	smul.u32 $0xF7A, s1;
	s8 =	simm.s32 @!p0 $0x1BF5;
	p2 =	por !p2, p0  }
0x20: {  	[sflag:s8] =	ssyncset.s32 @!p0 $0xFFFFF086;
	s6 =	sadd.s32 @!p0 s3, s7;
	s7 =	simm.s32 @!p0 $0x108  }
0x21: {  	s3 =	sadd.s32 s3, s9;
	s6 =	sadd.s32 @!p0 $0x88, s6;
	s7 =	simm.s32 @p2 $0x1082  }
0x22: {  	[simem:s7], [sflag:s8] =	dma.local @!p0 [hbm:s6], $0xF7A  }
0x23: {  	s9 =	sor.u32 $0xD0000000, s2;
	s6 =	simm.s32 $0x108;
	_ =	swait.ge @!p0 [sflag:s8], $0x0  }
0x24: {  	s3 =	sadd.s32 $0x88, s3;
	s6 =	simm.s32 @!p1 $0x1082;
	[sflag:s4] =	ssyncset.s32 $0xFFFFF086  }
0x25: {  	[simem:s6], [sflag:s4] =	dma.local [hbm:s3], $0xF7A  }
0x26: {  	[smem:$0x3F9B] =	sst s1;
	(tag) =	ssettag s2;
	_ =	strace s9  }
0x27: {  	s1 =	sld [smem:$0x3FAB]  }
0x28: {  	s2 =	sld [smem:$0x3FAC]  }
0x29: {  	s4 =	sld [smem:$0x3FAE]  }
0x2a: {  	p0 =	seq.s32 s5, $0x0;
	s5 =	sld [smem:$0x3FAF]  }
0x2b: {  	s6 =	sld [smem:$0x3FB0]  }
0x2c: {  	s7 =	sld [smem:$0x3FB1]  }
0x2d: {  	s3 =	simm.s32 $0x108;
	s8 =	sld [smem:$0x3FB2]  }
0x2e: {  	s3 =	simm.s32 @!p0 $0x1082;
	s9 =	sld [smem:$0x3FB3]  }
0x2f: {  	lr =	sadd.s32 s0, s3;
	s0 =	sld [smem:$0x3FAA]  }
0x30: {  	s3 =	sld [smem:$0x3FAD]  }
0x31: {  	[smem:$0x3FB6] =	sst s10  }
0x32: {  	s10 =	sld [smem:$0x3FB4];
	_ =	sdelay $0x3  }
0x33: {  	p0 =	seq.s32 s10, $0x1;
	s10 =	sld [smem:$0x3FB6];
	_ =	sdelay $0x3  }
0x34: {  	[smem:$0x3FB6] =	sst s10  }
0x35: {  	s10 =	sld [smem:$0x3FB5];
	_ =	sdelay $0x3  }
0x36: {  	p1 =	seq.s32 s10, $0x1;
	s10 =	sld [smem:$0x3FB6];
	_ =	sdelay $0x3  }
0x37: {  	[smem:$0x3FB6] =	sst s10  }
0x38: {  	s10 =	sld [smem:$0x3FB7]  }
0x39: {  	_ = 	snop;
	(pc) =	sbr.ind lr, $3  }
0x3a: {  	_ = 	snop  }
0x3b: {  	_ = 	snop  }
0x3c: {  	p2 =	seq.s32 s10, $0x1;
	s10 =	sld [smem:$0x3FB6]  }
0x3d: {  	_ =	shalt  }
0x3e: {  	_ =	shalt  }
0x3f: {  	_ =	shalt  }
0x40: {  	_ =	shalt  }
0x41: {  	_ =	shalt  }
0x42: {  	_ =	shalt  }
0x43: {  	_ =	shalt  }
0x44: {  	_ =	shalt  }
0x45: {  	_ =	shalt  }
0x46: {  	_ =	shalt  }
0x47: {  	_ =	shalt  }
0x48: {  	_ =	shalt  }
0x49: {  	_ =	shalt  }
0x4a: {  	_ =	shalt  }
0x4b: {  	_ =	shalt  }
0x4c: {  	_ =	shalt  }
0x4d: {  	_ =	shalt  }
0x4e: {  	_ =	shalt  }
0x4f: {  	_ =	shalt  }
0x50: {  	_ =	shalt  }
0x51: {  	_ =	shalt  }
0x52: {  	_ =	shalt  }
0x53: {  	_ =	shalt  }
0x54: {  	_ =	shalt  }
0x55: {  	_ =	shalt  }
0x56: {  	_ =	shalt  }
0x57: {  	_ =	shalt  }
0x58: {  	_ =	shalt  }
0x59: {  	_ =	shalt  }
0x5a: {  	_ =	shalt  }
0x5b: {  	_ =	shalt  }
0x5c: {  	_ =	shalt  }
0x5d: {  	_ =	shalt  }
0x5e: {  	_ =	shalt  }
0x5f: {  	_ =	shalt  }
0x60: {  	_ =	shalt  }
0x61: {  	_ =	shalt  }
0x62: {  	_ =	shalt  }
0x63: {  	_ =	shalt  }
0x64: {  	_ =	shalt  }
0x65: {  	_ =	shalt  }
0x66: {  	_ =	shalt  }
0x67: {  	_ =	shalt  }
0x68: {  	_ =	shalt  }
0x69: {  	_ =	shalt  }
0x6a: {  	_ =	shalt  }
0x6b: {  	_ =	shalt  }
0x6c: {  	_ =	shalt  }
0x6d: {  	_ =	shalt  }
0x6e: {  	_ =	shalt  }
0x6f: {  	_ =	shalt  }
0x70: {  	_ =	shalt  }
0x71: {  	_ =	shalt  }
0x72: {  	_ =	shalt  }
0x73: {  	_ =	shalt  }
0x74: {  	_ =	shalt  }
0x75: {  	_ =	shalt  }
0x76: {  	_ =	shalt  }
0x77: {  	_ =	shalt  }
0x78: {  	_ =	shalt  }
0x79: {  	_ =	shalt  }
0x7a: {  	_ =	shalt  }
0x7b: {  	_ =	shalt  }
0x7c: {  	_ =	shalt  }
0x7d: {  	_ =	shalt  }
0x7e: {  	_ =	shalt  }
0x7f: {  	_ =	shalt  }
0x80: {  	_ =	shalt  }
0x81: {  	_ =	shalt  }
0x82: {  	_ =	shalt  }
0x83: {  	_ =	shalt  }
0x84: {  	_ =	shalt  }
0x85: {  	_ =	shalt  }
0x86: {  	_ =	shalt  }
0x87: {  	_ =	shalt  }
.Lfunc_end0:
.L_simem_size_0:
called_computation.1_lowered:
.L_overlay_start_0:
0x88: {  	s2 =	sld [smem:$0x3FD9]  }
0x89: {  	s3 =	sld [smem:$0x3FFE];
	_ =	sdelay $0x1  }
0x8a: {  	s1 =	srdreg.scid  }
0x8b: {  	s0 =	sand.u32 $0x1, s1  }
0x8c: {  	s16 =	sshll.u32 s0, $0xA;
	s2 =	sadd.s32 s3, s2  }
0x8d: {  	s2 =	sadd.s32 s2, s16  }
0x8e: {  	[smem:$0x3FC2] =	sst s2  }
0x8f: {  	_ = 	snop  }
0x90: {  	(tm) =	ssettm $0x1  }
0x91: {  	s17 =	sld [smem:$0x3FFB];
	_ =	sdelay $0x3  }
0x92: {  	_ =	strace s17  }
0x93: {  	s2 =	sld [smem:$0x3FFC];
	_ =	sdelay $0x3  }
0x94: {  	_ =	strace s2  }
0x95: {  	s2 =	sld [smem:$0x3FFD];
	_ =	sdelay $0x3  }
0x96: {  	_ =	strace s2  }
0x97: {  	_ =	strace $0x8FFFFFFF  }
0x98: {  	s18 =	sld [smem:$0x3FDB];
	_ =	sdelay $0x1  }
0x99: {  	s19 =	simm.s32 $_scs_section_size  }
0x9a: {  	s4 =	simm.s32 $_size__tile_overlayer_lowered;
	s5 =	simm.s32 $_tile_overlayer_lowered  }
0x9b: {  	s22 =	simm.s32 $0x1BFF;
	s21 =	sshll.u32 s5, $0x1;
	s2 =	sadd.s32 s19, s18  }
0x9c: {  	s6 =	simm.s32 $0x0;
	s20 =	sshll.u32 s4, $0x1;
	s4 =	sadd.s32 s21, s2  }
0x9d: {  	[timem:s6], [sflag:s22] =	dma.local [hbm:s4], s20  }
0x9e: {  	_ =	swait.ge [sflag:s22], s20  }
0x9f: {  	s3 =	ssub.s32 $0x0, s20;
	[sflag:s22] =	ssyncset.done $0x0  }
0xa0: {  	[sflag:s22] =	ssyncadd.s32 s3;
	_ =	sdelay $0x1  }
0xa1: {  	s23 =	simm.s32 $0x1B8B  }
0xa2: {  	_ =	swait.ge [sflag:s23], $0x1  }
0xa3: {  	[sflag:s23] =	ssyncset.done $0x0  }
0xa4: {  	s25 =	simm.s32 $0x1B8E;
	s24 =	sld [smem:$0x3FFE];
	[sflag:s23] =	ssyncadd.s32 $0xFFFFFFFF  }
0xa5: {  	s26 =	simm.s32 $execute0_lowered;
	[smem:$0x3FD2] =	sst s25  }
0xa6: {  	s4 =	sshll.u32 s26, $0x1;
	_ =	strace $0x80000049;
	[dreg:$0x1] =	wrdreg $0xFFFFFFFF  }
0xa7: {  	s28 =	simm.s32 $_size_execute0_lowered;
	s2 =	sadd.s32 s2, s4;
	[dreg:$0x0] =	wrdreg $0x0  }
0xa8: {  	s4 =	sshll.u32 s28, $0x1;
	[dreg:$0x2] =	wrdreg s2  }
0xa9: {  	[dreg:$0x3] =	wrdreg s4  }
0xaa: {  	[dreg:$0x4] =	wrdreg $0xC0  }
0xab: {  	_ =	task [dreg:s6], $0x5FFFF  }
0xac: {  	[dreg:$0x1] =	wrdreg $0xFFFFFFFF  }
0xad: {  	[dreg:$0x0] =	wrdreg $0x60  }
0xae: {  	[dreg:$0x2] =	wrdreg s24  }
0xaf: {  	[dreg:$0x3] =	wrdreg $0x168000  }
0xb0: {  	[dreg:$0x4] =	wrdreg $0x9  }
0xb1: {  	_ =	task.clear_ibuf [dreg:s6], $0x5FFFF;
	_ =	strace $0x90000049  }
0xb2: {  	s29 =	simm.s32 $0x9;
	_ =	strace $0x8000004B  }
0xb3: {  	_ =	swait.ge [sflag:s29], $0x1  }
0xb4: {  	[sflag:s29] =	ssyncadd.s32 $0xFFFFFFFF  }
0xb5: {  	_ =	strace $0x9000004B  }
0xb6: {  	_ =	sfence  }
0xb7: {  	s30 =	sld [smem:$0x0];
	_ =	sdelay $0x2  }
0xb8: {  	s31 =	sshll.u32 s1, $0xD;
	s1 =	sshrl.u32 s1, $0x2  }
0xb9: {  	s3 =	sand.u32 $0x4000, s31;
	s1 =	sadd.s32 s1, s30  }
0xba: {  	s0 =	sor.u32 s3, s0;
	s1 =	sshll.u32 s1, $0x11  }
0xbb: {  	s0 =	sor.u32 s1, s0  }
0xbc: {  	s0 =	sadd.s32 $0x8F2B, s0  }
0xbd: {  	[sflag:s0] =	ssyncadd.remote.s32 $0x1  }
0xbe: {  	_ =	sfence.sel $0xFFFF  }
0xbf: {  	[dreg:$0x0] =	wrdreg $0xFFFFFFFF;
	(pc) =	sbr.abs _section_cstart, $3  }
0xc0: {  	[dreg:$0x1] =	wrdreg $0xFFFFFFFF  }
0xc1: {  	_ =	task.clear_ibuf [dreg:s6], $0x2FFFF;
	_ =	strace $0x9FFFFFFF  }
0xc2: {  	(tm) =	ssettm $0x7FFFFFFF  }
0xc3: {  	_ =	shalt  }
tec
execute0_lowered:
.L_overlay_start_1:
0x0: {  	(tag) =	ssettag $0x1  }
0x1: {  	s6 =	rddreg [dreg:$0x0]  }
0x2: {  	s0 =	srdreg.scid;
	s2 =	rddreg [dreg:$0x1]  }
0x3: {  	s3 =	simm.s32 $0x0;
	s14 =	simm.s32 $0x80;
	s15 =	simm.s32 $0x1  }
0x4: {  	s16 =	simm.s32 $0x2;
	s5 =	sand.u32 $0x1, s0;
	s0 =	stileid.u32  }
0x5: {  	s17 =	simm.s32 $0x0;
	[smem:$0x7FF] =	sst s3;
	s8 =	smul.u32 $0x2800, s0  }
0x6: {  	s4 =	sadd.s32 $0xF400, s6;
	s1 =	sshll.u32 s5, $0x4;
	s9 =	smul.u32 $0x28000, s5  }
0x7: {  	s5 =	ssub.s32 $0x2, s5;
	s31 =	sshll.u32 s0, $0x6;
	s1 =	sor.u32 s0, s1  }
0x8: {  	s11 =	sshrl.u32 s5, $0x1;
	s7 =	smul.u32 $0x280, s1;
	s1 =	rddreg [dreg:$0x2]  }
0x9: {  	_ =	strace $0x8000004A;
	s29 =	sadd.s32 s8, s9;
	s30 =	sshrl.u32 s8, $0x3  }
0xa: {  	s11 =	ssub.s32 s5, s11;
	s13 =	sadd.s32 s8, s2;
	s9 =	sadd.s32 s30, s6  }
0xb: {  	s10 =	sadd.s32 s7, s6;
	s7 =	sshrl.u32 s29, $0x3;
	s5 =	sadd.s32 $0xA400, s9  }
0xc: {  	s12 =	sadd.s32 s7, s6;
	s6 =	sor.u32 $0x1C03, s31;
	s7 =	sadd.s32 $0x400, s10  }
0xd: {  	s8 =	sadd.s32 $0x5400, s10;
	s10 =	smax.u32 s11, $0x1;
	s11 =	sshrl.u32 s13, $0x3  }
0xe: {  	s13 =	simm.s32 $0x1400;
	s9 =	sadd.s32 $0x14400, s12;
	s12 =	simm.s32 $0x3  }
.LBB2_1:
0xf: {  	[spmem:s11], [sflag:s6] =	dma.local [hbm:s5], $0x500  }
0x10: {  	_ =	swait.ge [sflag:s12], $0x500  }
0x11: {  	[sflag:s12] =	ssyncset.done $0x0  }
0x12: {  	[sflag:s12] =	ssyncadd.s32 $0xFFFFFB00  }
0x13: {  	[tilespmem:s3], [sflag:$0x3] =	stream.linear.gather [hbm4b:s7+s3], $0x1400, $0x38;
	[tilespmem:$0x19000] =	vst v63  }
0x14: {  	_ =	swait.ge [sflag:s12], $0x1400  }
0x15: {  	[sflag:s12] =	ssyncset.done $0x0  }
0x16: {  	[sflag:s12] =	ssyncadd.s32 $0xFFFFEC00  }
0x17: {  	[tilespmem:s13], [sflag:$0x3] =	stream.linear.gather [hbm4b:s8+s3], $0x1400, $0x38;
	[tilespmem:$0x19000] =	vst v63  }
0x18: {  	_ =	swait.ge [sflag:s12], $0x1400  }
0x19: {  	[sflag:s12] =	ssyncset.done $0x0  }
0x1a: {  	[sflag:s12] =	ssyncadd.s32 $0xFFFFEC00  }
0x1b: {  	s18 =	simm.s32 $0x2800;
	s19 =	simm.s32 $0x0;
	[bflag:$0x0] =	sbarrier.arrive $0xFFFF  }
.LBB2_2:
0x1c: {  	p0 =	sne.s32 s19, $0x4E00  }
.Ltmp0:
0x1d: {  	_ = 	snop;
	(pc) =	sbr.rel @p0 .LBB2_2-.Ltmp0, $4  }
0x1e: {  	_ = 	snop  }
0x1f: {  	s20 =	sshra.s32 s19, $0x2  }
0x20: {  	[tilespmem:s18], [sflag:$0x1] =	stream.indirect.gather [hbm4b:s4+s14], $0x10, s20, s14, $0xb8;
	[tilespmem:$0x19000] =	vst v63  }
0x21: {  	s19 =	sadd.s32 $0x200, s19;
	s18 =	sadd.s32 $0x800, s18  }
0x22: {  	s18 =	simm.s32 $0x28  }
.LBB2_4:
0x23: {  	p0 =	sne.s32 s18, $0x1  }
.Ltmp1:
0x24: {  	_ = 	snop;
	(pc) =	sbr.rel @p0 .LBB2_4-.Ltmp1, $4  }
0x25: {  	_ = 	snop  }
0x26: {  	_ =	swait.ge [sflag:s15], $0x800  }
0x27: {  	[sflag:s15] =	ssyncset.done $0x0  }
0x28: {  	s18 =	sadd.s32 $0xFFFFFFFF, s18;
	[sflag:s15] =	ssyncadd.s32 $0xFFFFF800  }
0x29: {  	s18 =	simm.s32 $0x0;
	s19 =	simm.s32 $0x2800  }
.LBB2_6:
0x2a: {  	p0 =	sne.s32 s18, $0x4E00  }
.Ltmp2:
0x2b: {  	_ = 	snop;
	(pc) =	sbr.rel @p0 .LBB2_6-.Ltmp2, $4  }
0x2c: {  	s20 =	sshra.s32 s18, $0x2  }
0x2d: {  	s20 =	sadd.s32 $0x1400, s20  }
0x2e: {  	[spmem:s2] =	stream.indirect.scatter.add.f32 [tilespmem:s19], [sflag:$0x2], $0x10, s20, s14, $0xb8;
	[tilespmem:$0x19000] =	vst v63  }
0x2f: {  	s18 =	sadd.s32 $0x200, s18;
	s19 =	sadd.s32 $0x800, s19  }
0x30: {  	_ =	swait.ge [sflag:s16], $0x800  }
0x31: {  	s18 =	simm.s32 $0x27;
	[sflag:s16] =	ssyncset.done $0x0  }
.LBB2_8:
0x32: {  	p0 =	sne.s32 s18, $0x1;
	s18 =	sadd.s32 $0xFFFFFFFF, s18;
	[sflag:s16] =	ssyncadd.s32 $0xFFFFF800  }
.Ltmp3:
0x33: {  	(pc) =	sbr.rel @p0 .LBB2_8-.Ltmp3, $3  }
0x34: {  	_ =	sdelay $0x1  }
0x35: {  	_ =	swait.ge [sflag:s16], $0x800  }
0x36: {  	[sflag:s16] =	ssyncset.done $0x0  }
0x37: {  	s17 =	sadd.s32 $0x1, s17  }
0x38: {  	[sflag:s16] =	ssyncadd.s32 $0xFFFFF800;
	p0 =	sne.s32 s17, s10  }
.Ltmp4:
0x39: {  	[bflag:$0x0] =	sbarrier.arrive $0xFFFF;
	(pc) =	sbr.rel @p0 .LBB2_1-.Ltmp4, $4  }
0x3a: {  	[hbm:s9], [sflag:s6] =	dma.local [spmem:s11], $0x500  }
0x3b: {  	_ =	swait.ge [sflag:s12], $0x500  }
0x3c: {  	[sflag:s12] =	ssyncset.done $0x0  }
0x3d: {  	[sflag:s12] =	ssyncadd.s32 $0xFFFFFB00  }
0x3e: {  	_ =	sfence.sel $0x180000  }
0x3f: {  	[bflag:$0x0] =	sbarrier.arrive $0xFFFF  }
0x40: {  	p0 =	sne.s32 s0, $0x0;
	_ =	strace $0x9000004A  }
0x41: {  	s0 =	sadd.s32 @!p0 $0x100000, s1;
	[bflag:$0x2] =	sbarrier.arrive $0xFFFF  }
0x42: {  	[sflag:s0] =	ssyncadd.tile.s32 @!p0 $0x1;
	_ =	shalt  }
.Lfunc_end2:
_tile_overlayer_lowered:
.L_overlay_start_2:
0x43: {  	(tag) =	ssettag $0x2  }
0x44: {  	s0 =	rddreg [dreg:$0x0];
	s2 =	stileid.u32  }
0x45: {  	s1 =	rddreg [dreg:$0x1];
	p0 =	sne.s32 s2, $0x0  }
0x46: {  	s3 =	rddreg [dreg:$0x2];
	[bflag:$0x3] =	sbarrier.arrive $0xFFFF;
	s2 =	simm.s32 @!p0 $0x1C03  }
0x47: {  	[timem:s3], [sflag:s2] =	dma.local @!p0 [hbm:s0], s1  }
0x48: {  	s0 =	simm.s32 @!p0 $0x3  }
0x49: {  	_ =	swait.ge @!p0 [sflag:s0], s1  }
0x4a: {  	s1 =	ssub.s32 @!p0 $0x0, s1;
	[sflag:s0] =	ssyncset.done @!p0 $0x0  }
0x4b: {  	[sflag:s0] =	ssyncadd.s32 @!p0 s1  }
0x4c: {  	[bflag:$0x3] =	sbarrier.arrive $0xFFFF  }
0x4d: {  	_ =	shalt  }

// kernel: kernel.7.cloned.1.call-start
scs
__scs_entry_jumppad:
0x0: {  	(pc) =	sbr.rel $0x88, $3  }
0x1: {  	(tag) =	ssettag $0x0;
	lr =	simm.s32 $0x1  }
0x2: {  	[smem:$0x3F9B] =	sst lr;
	_ =	strace $0xD0000000  }
0x3: {  	_ = 	snop  }
0x4: {  	_ = 	snop  }
0x5: {  	_ = 	snop  }
0x6: {  	_ = 	snop  }
0x7: {  	_ = 	snop  }
__scs_overlays_trampoline_lowered:
0x8: {  	[smem:$0x3FAA] =	sst s0  }
0x9: {  	[smem:$0x3FAB] =	sst s1  }
0xa: {  	[smem:$0x3FAC] =	sst s2  }
0xb: {  	[smem:$0x3FAD] =	sst s3  }
0xc: {  	[smem:$0x3FAE] =	sst s4  }
0xd: {  	[smem:$0x3FAF] =	sst s5  }
0xe: {  	[smem:$0x3FB0] =	sst s6  }
0xf: {  	[smem:$0x3FB1] =	sst s7  }
0x10: {  	[smem:$0x3FB2] =	sst s8  }
0x11: {  	[smem:$0x3FB3] =	sst s9;
	s0 =	simm.s32 @!p0 $0x0  }
0x12: {  	s1 =	sld [smem:$0x3F99];
	s0 =	simm.s32 @p0 $0x1  }
0x13: {  	[smem:$0x3FB4] =	sst s0;
	s0 =	simm.s32 @!p1 $0x0  }
0x14: {  	s2 =	sld [smem:$0x3F98];
	s0 =	simm.s32 @p1 $0x1  }
0x15: {  	[smem:$0x3FB5] =	sst s0;
	s0 =	simm.s32 @!p2 $0x0  }
0x16: {  	s3 =	sld [smem:$0x3FDB];
	s0 =	simm.s32 @p2 $0x1  }
0x17: {  	s4 =	simm.s32 $0x1BF5;
	[smem:$0x3FB7] =	sst s0  }
0x18: {  	s0 =	sld [smem:$0x3F9A];
	_ =	swait.ge [sflag:s4], $0x0  }
0x19: {  	s7 =	sld [smem:$0x3F9B]  }
0x1a: {  	s8 =	sadd.s32 $0xFFFFE003, lr  }
0x1b: {  	s9 =	sadd.s32 $0xFFFFFEF7, lr;
	s5 =	simm.s32 $0xFFFFFFFF;
	p2 =	slt.u32 s8, $0xFFFFF086  }
0x1c: {  	p1 =	slt.u32 s9, $0xF7A;
	s5 =	simm.s32 @!p2 $0x0  }
0x1d: {  	s5 =	simm.s32 @p1 $0x1;
	p0 =	seq.s32 s7, s2  }
0x1e: {  	s7 =	smul.u32 @!p0 $0xF7A, s2;
	p2 =	seq.s32 @!p0 s5, $0x0  }
0x1f: {  	s9 =	smul.u32 $0xF7A, s1;
	s8 =	simm.s32 @!p0 $0x1BF5;
	p2 =	por !p2, p0  }
0x20: {  	[sflag:s8] =	ssyncset.s32 @!p0 $0xFFFFF086;
	s6 =	sadd.s32 @!p0 s3, s7;
	s7 =	simm.s32 @!p0 $0x108  }
0x21: {  	s3 =	sadd.s32 s3, s9;
	s6 =	sadd.s32 @!p0 $0x88, s6;
	s7 =	simm.s32 @p2 $0x1082  }
0x22: {  	[simem:s7], [sflag:s8] =	dma.local @!p0 [hbm:s6], $0xF7A  }
0x23: {  	s9 =	sor.u32 $0xD0000000, s2;
	s6 =	simm.s32 $0x108;
	_ =	swait.ge @!p0 [sflag:s8], $0x0  }
0x24: {  	s3 =	sadd.s32 $0x88, s3;
	s6 =	simm.s32 @!p1 $0x1082;
	[sflag:s4] =	ssyncset.s32 $0xFFFFF086  }
0x25: {  	[simem:s6], [sflag:s4] =	dma.local [hbm:s3], $0xF7A  }
0x26: {  	[smem:$0x3F9B] =	sst s1;
	(tag) =	ssettag s2;
	_ =	strace s9  }
0x27: {  	s1 =	sld [smem:$0x3FAB]  }
0x28: {  	s2 =	sld [smem:$0x3FAC]  }
0x29: {  	s4 =	sld [smem:$0x3FAE]  }
0x2a: {  	p0 =	seq.s32 s5, $0x0;
	s5 =	sld [smem:$0x3FAF]  }
0x2b: {  	s6 =	sld [smem:$0x3FB0]  }
0x2c: {  	s7 =	sld [smem:$0x3FB1]  }
0x2d: {  	s3 =	simm.s32 $0x108;
	s8 =	sld [smem:$0x3FB2]  }
0x2e: {  	s3 =	simm.s32 @!p0 $0x1082;
	s9 =	sld [smem:$0x3FB3]  }
0x2f: {  	lr =	sadd.s32 s0, s3;
	s0 =	sld [smem:$0x3FAA]  }
0x30: {  	s3 =	sld [smem:$0x3FAD]  }
0x31: {  	[smem:$0x3FB6] =	sst s10  }
0x32: {  	s10 =	sld [smem:$0x3FB4];
	_ =	sdelay $0x3  }
0x33: {  	p0 =	seq.s32 s10, $0x1;
	s10 =	sld [smem:$0x3FB6];
	_ =	sdelay $0x3  }
0x34: {  	[smem:$0x3FB6] =	sst s10  }
0x35: {  	s10 =	sld [smem:$0x3FB5];
	_ =	sdelay $0x3  }
0x36: {  	p1 =	seq.s32 s10, $0x1;
	s10 =	sld [smem:$0x3FB6];
	_ =	sdelay $0x3  }
0x37: {  	[smem:$0x3FB6] =	sst s10  }
0x38: {  	s10 =	sld [smem:$0x3FB7]  }
0x39: {  	_ = 	snop;
	(pc) =	sbr.ind lr, $3  }
0x3a: {  	_ = 	snop  }
0x3b: {  	_ = 	snop  }
0x3c: {  	p2 =	seq.s32 s10, $0x1;
	s10 =	sld [smem:$0x3FB6]  }
0x3d: {  	_ =	shalt  }
0x3e: {  	_ =	shalt  }
0x3f: {  	_ =	shalt  }
0x40: {  	_ =	shalt  }
0x41: {  	_ =	shalt  }
0x42: {  	_ =	shalt  }
0x43: {  	_ =	shalt  }
0x44: {  	_ =	shalt  }
0x45: {  	_ =	shalt  }
0x46: {  	_ =	shalt  }
0x47: {  	_ =	shalt  }
0x48: {  	_ =	shalt  }
0x49: {  	_ =	shalt  }
0x4a: {  	_ =	shalt  }
0x4b: {  	_ =	shalt  }
0x4c: {  	_ =	shalt  }
0x4d: {  	_ =	shalt  }
0x4e: {  	_ =	shalt  }
0x4f: {  	_ =	shalt  }
0x50: {  	_ =	shalt  }
0x51: {  	_ =	shalt  }
0x52: {  	_ =	shalt  }
0x53: {  	_ =	shalt  }
0x54: {  	_ =	shalt  }
0x55: {  	_ =	shalt  }
0x56: {  	_ =	shalt  }
0x57: {  	_ =	shalt  }
0x58: {  	_ =	shalt  }
0x59: {  	_ =	shalt  }
0x5a: {  	_ =	shalt  }
0x5b: {  	_ =	shalt  }
0x5c: {  	_ =	shalt  }
0x5d: {  	_ =	shalt  }
0x5e: {  	_ =	shalt  }
0x5f: {  	_ =	shalt  }
0x60: {  	_ =	shalt  }
0x61: {  	_ =	shalt  }
0x62: {  	_ =	shalt  }
0x63: {  	_ =	shalt  }
0x64: {  	_ =	shalt  }
0x65: {  	_ =	shalt  }
0x66: {  	_ =	shalt  }
0x67: {  	_ =	shalt  }
0x68: {  	_ =	shalt  }
0x69: {  	_ =	shalt  }
0x6a: {  	_ =	shalt  }
0x6b: {  	_ =	shalt  }
0x6c: {  	_ =	shalt  }
0x6d: {  	_ =	shalt  }
0x6e: {  	_ =	shalt  }
0x6f: {  	_ =	shalt  }
0x70: {  	_ =	shalt  }
0x71: {  	_ =	shalt  }
0x72: {  	_ =	shalt  }
0x73: {  	_ =	shalt  }
0x74: {  	_ =	shalt  }
0x75: {  	_ =	shalt  }
0x76: {  	_ =	shalt  }
0x77: {  	_ =	shalt  }
0x78: {  	_ =	shalt  }
0x79: {  	_ =	shalt  }
0x7a: {  	_ =	shalt  }
0x7b: {  	_ =	shalt  }
0x7c: {  	_ =	shalt  }
0x7d: {  	_ =	shalt  }
0x7e: {  	_ =	shalt  }
0x7f: {  	_ =	shalt  }
0x80: {  	_ =	shalt  }
0x81: {  	_ =	shalt  }
0x82: {  	_ =	shalt  }
0x83: {  	_ =	shalt  }
0x84: {  	_ =	shalt  }
0x85: {  	_ =	shalt  }
0x86: {  	_ =	shalt  }
0x87: {  	_ =	shalt  }
.Lfunc_end0:
.L_simem_size_0:
called_computation_lowered:
.L_overlay_start_0:
0x88: {  	s2 =	sld [smem:$0x3FD9]  }
0x89: {  	s3 =	sld [smem:$0x3FFE];
	_ =	sdelay $0x1  }
0x8a: {  	s1 =	srdreg.scid  }
0x8b: {  	s0 =	sand.u32 $0x1, s1  }
0x8c: {  	s14 =	sshll.u32 s0, $0xA;
	s2 =	sadd.s32 s3, s2  }
0x8d: {  	s2 =	sadd.s32 s2, s14  }
0x8e: {  	[smem:$0x3FC2] =	sst s2  }
0x8f: {  	_ = 	snop  }
0x90: {  	s2 =	sld [smem:$0x3FD0];
	_ =	sdelay $0x2  }
0x91: {  	s15 =	simm.s32 $0xA;
	s4 =	simm.s32 $0x10  }
0x92: {  	[smem:s4], [sflag:s15] =	dma.local [hbm:s2], $0x1  }
0x93: {  	_ =	swait.eq [sflag:s15], $0x1  }
0x94: {  	[sflag:s15] =	ssyncset.done $0x0  }
0x95: {  	[sflag:s15] =	ssyncadd.s32 $0xFFFFFFFF  }
0x96: {  	s16 =	sld [smem:$0x10];
	(tm) =	ssettm $0x1  }
0x97: {  	s17 =	sld [smem:$0x3FFB];
	_ =	sdelay $0x3  }
0x98: {  	_ =	strace s17  }
0x99: {  	s3 =	sld [smem:$0x3FFC];
	_ =	sdelay $0x3  }
0x9a: {  	_ =	strace s3  }
0x9b: {  	s3 =	sld [smem:$0x3FFD];
	_ =	sdelay $0x3  }
0x9c: {  	_ =	strace s3  }
0x9d: {  	_ =	strace $0x8FFFFFFF  }
0x9e: {  	s18 =	sld [smem:$0x3FDB];
	_ =	sdelay $0x1  }
0x9f: {  	s19 =	simm.s32 $_scs_section_size  }
0xa0: {  	s5 =	simm.s32 $_size__tile_overlayer_lowered;
	s6 =	simm.s32 $_tile_overlayer_lowered  }
0xa1: {  	s22 =	simm.s32 $0x1BFF;
	s21 =	sshll.u32 s6, $0x1;
	s3 =	sadd.s32 s19, s18  }
0xa2: {  	s7 =	simm.s32 $0x0;
	s20 =	sshll.u32 s5, $0x1;
	s5 =	sadd.s32 s21, s3  }
0xa3: {  	[timem:s7], [sflag:s22] =	dma.local [hbm:s5], s20  }
0xa4: {  	_ =	swait.ge [sflag:s22], s20  }
0xa5: {  	s4 =	ssub.s32 $0x0, s20;
	[sflag:s22] =	ssyncset.done $0x0  }
0xa6: {  	[sflag:s22] =	ssyncadd.s32 s4;
	_ =	sdelay $0x1  }
0xa7: {  	s23 =	simm.s32 $0x1B8B  }
0xa8: {  	_ =	swait.ge [sflag:s23], $0x1  }
0xa9: {  	[sflag:s23] =	ssyncset.done $0x0  }
0xaa: {  	s25 =	simm.s32 $0x1B8E;
	s24 =	sld [smem:$0x3FFE];
	[sflag:s23] =	ssyncadd.s32 $0xFFFFFFFF  }
0xab: {  	s26 =	simm.s32 $execute0_lowered;
	[smem:$0x3FD2] =	sst s25  }
0xac: {  	s5 =	sshll.u32 s26, $0x1;
	_ =	strace $0x80000046;
	[dreg:$0x1] =	wrdreg $0xFFFFFFFF  }
0xad: {  	s28 =	simm.s32 $_size_execute0_lowered;
	s3 =	sadd.s32 s3, s5;
	[dreg:$0x0] =	wrdreg $0x0  }
0xae: {  	s5 =	sshll.u32 s28, $0x1;
	[dreg:$0x2] =	wrdreg s3  }
0xaf: {  	[dreg:$0x3] =	wrdreg s5  }
0xb0: {  	[dreg:$0x4] =	wrdreg $0xC0  }
0xb1: {  	_ =	task [dreg:s7], $0x5FFFF  }
0xb2: {  	[dreg:$0x1] =	wrdreg $0xFFFFFFFF  }
0xb3: {  	[dreg:$0x0] =	wrdreg $0x60  }
0xb4: {  	[dreg:$0x2] =	wrdreg s16  }
0xb5: {  	[dreg:$0x3] =	wrdreg s24  }
0xb6: {  	[dreg:$0x4] =	wrdreg $0x168000  }
0xb7: {  	[dreg:$0x5] =	wrdreg $0x9  }
0xb8: {  	_ =	task.clear_ibuf [dreg:s7], $0x6FFFF;
	_ =	strace $0x90000046  }
0xb9: {  	s29 =	simm.s32 $0x9;
	_ =	strace $0x80000048  }
0xba: {  	_ =	swait.ge [sflag:s29], $0x1  }
0xbb: {  	[sflag:s29] =	ssyncadd.s32 $0xFFFFFFFF  }
0xbc: {  	_ =	strace $0x90000048  }
0xbd: {  	_ =	sfence  }
0xbe: {  	s30 =	sld [smem:$0x0];
	_ =	sdelay $0x2  }
0xbf: {  	s31 =	sshll.u32 s1, $0xD;
	s1 =	sshrl.u32 s1, $0x2  }
0xc0: {  	s3 =	sand.u32 $0x4000, s31;
	s1 =	sadd.s32 s1, s30  }
0xc1: {  	s0 =	sor.u32 s3, s0;
	s1 =	sshll.u32 s1, $0x11  }
0xc2: {  	s0 =	sor.u32 s1, s0  }
0xc3: {  	s0 =	sadd.s32 $0x8F2B, s0  }
0xc4: {  	[sflag:s0] =	ssyncadd.remote.s32 $0x1  }
0xc5: {  	_ =	sfence.sel $0xFFFF  }
0xc6: {  	[dreg:$0x0] =	wrdreg $0xFFFFFFFF;
	(pc) =	sbr.abs _section_cstart, $3  }
0xc7: {  	[dreg:$0x1] =	wrdreg $0xFFFFFFFF  }
0xc8: {  	_ =	task.clear_ibuf [dreg:s7], $0x2FFFF;
	_ =	strace $0x9FFFFFFF  }
0xc9: {  	(tm) =	ssettm $0x7FFFFFFF  }
tec
execute0_lowered:
.L_overlay_start_1:
0x0: {  	(tag) =	ssettag $0x1  }
0x1: {  	s1 =	rddreg [dreg:$0x0]  }
0x2: {  	s0 =	srdreg.scid;
	s6 =	rddreg [dreg:$0x1]  }
0x3: {  	s3 =	rddreg [dreg:$0x2];
	s4 =	simm.s32 $0x0;
	s14 =	simm.s32 $0x80  }
0x4: {  	s15 =	simm.s32 $0x1;
	s5 =	sand.u32 $0x1, s0;
	s0 =	stileid.u32  }
0x5: {  	s16 =	simm.s32 $0x2;
	s17 =	simm.s32 $0x0;
	s8 =	smul.u32 $0x2800, s0  }
0x6: {  	[smem:$0x7FF] =	sst s4;
	s2 =	sshll.u32 s5, $0x4;
	s9 =	smul.u32 $0x28000, s5  }
0x7: {  	s5 =	ssub.s32 $0x2, s5;
	s31 =	sshll.u32 s0, $0x6;
	s2 =	sor.u32 s0, s2  }
0x8: {  	s11 =	sshrl.u32 s5, $0x1;
	s7 =	smul.u32 $0x280, s2;
	s2 =	rddreg [dreg:$0x3]  }
0x9: {  	_ =	strace $0x80000047;
	s29 =	sadd.s32 s8, s9;
	s30 =	sshrl.u32 s8, $0x3  }
0xa: {  	s11 =	ssub.s32 s5, s11;
	s13 =	sadd.s32 s8, s3;
	s9 =	sadd.s32 s30, s6  }
0xb: {  	s10 =	sadd.s32 s7, s6;
	s7 =	sshrl.u32 s29, $0x3;
	s5 =	sadd.s32 $0xA400, s9  }
0xc: {  	s12 =	sadd.s32 s7, s6;
	s6 =	sor.u32 $0x1C03, s31;
	s7 =	sadd.s32 $0x400, s10  }
0xd: {  	s8 =	sadd.s32 $0x5400, s10;
	s10 =	smax.u32 s11, $0x1;
	s11 =	sshrl.u32 s13, $0x3  }
0xe: {  	s13 =	simm.s32 $0x1400;
	s9 =	sadd.s32 $0xF400, s12;
	s12 =	simm.s32 $0x3  }
.LBB2_1:
0xf: {  	[spmem:s11], [sflag:s6] =	dma.local [hbm:s5], $0x500  }
0x10: {  	_ =	swait.ge [sflag:s12], $0x500  }
0x11: {  	[sflag:s12] =	ssyncset.done $0x0  }
0x12: {  	[sflag:s12] =	ssyncadd.s32 $0xFFFFFB00  }
0x13: {  	[tilespmem:s4], [sflag:$0x3] =	stream.linear.gather [hbm4b:s7+s4], $0x1400, $0x38;
	[tilespmem:$0x19000] =	vst v63  }
0x14: {  	_ =	swait.ge [sflag:s12], $0x1400  }
0x15: {  	[sflag:s12] =	ssyncset.done $0x0  }
0x16: {  	[sflag:s12] =	ssyncadd.s32 $0xFFFFEC00  }
0x17: {  	[tilespmem:s13], [sflag:$0x3] =	stream.linear.gather [hbm4b:s8+s4], $0x1400, $0x38;
	[tilespmem:$0x19000] =	vst v63  }
0x18: {  	_ =	swait.ge [sflag:s12], $0x1400  }
0x19: {  	[sflag:s12] =	ssyncset.done $0x0  }
0x1a: {  	[sflag:s12] =	ssyncadd.s32 $0xFFFFEC00  }
0x1b: {  	s18 =	simm.s32 $0x2800;
	s19 =	simm.s32 $0x0;
	[bflag:$0x0] =	sbarrier.arrive $0xFFFF  }
.LBB2_2:
0x1c: {  	p0 =	sne.s32 s19, $0x4E00  }
.Ltmp0:
0x1d: {  	_ = 	snop;
	(pc) =	sbr.rel @p0 .LBB2_2-.Ltmp0, $4  }
0x1e: {  	_ = 	snop  }
0x1f: {  	s20 =	sshra.s32 s19, $0x2  }
0x20: {  	[tilespmem:s18], [sflag:$0x1] =	stream.indirect.gather [hbm4b:s1+s14], $0x10, s20, s14, $0xb8;
	[tilespmem:$0x19000] =	vst v63  }
0x21: {  	s19 =	sadd.s32 $0x200, s19;
	s18 =	sadd.s32 $0x800, s18  }
0x22: {  	s18 =	simm.s32 $0x28  }
.LBB2_4:
0x23: {  	p0 =	sne.s32 s18, $0x1  }
.Ltmp1:
0x24: {  	_ = 	snop;
	(pc) =	sbr.rel @p0 .LBB2_4-.Ltmp1, $4  }
0x25: {  	_ = 	snop  }
0x26: {  	_ =	swait.ge [sflag:s15], $0x800  }
0x27: {  	[sflag:s15] =	ssyncset.done $0x0  }
0x28: {  	s18 =	sadd.s32 $0xFFFFFFFF, s18;
	[sflag:s15] =	ssyncadd.s32 $0xFFFFF800  }
0x29: {  	s18 =	simm.s32 $0x0;
	s19 =	simm.s32 $0x2800  }
.LBB2_6:
0x2a: {  	p0 =	sne.s32 s18, $0x4E00  }
.Ltmp2:
0x2b: {  	_ = 	snop;
	(pc) =	sbr.rel @p0 .LBB2_6-.Ltmp2, $4  }
0x2c: {  	s20 =	sshra.s32 s18, $0x2  }
0x2d: {  	s20 =	sadd.s32 $0x1400, s20  }
0x2e: {  	[spmem:s3] =	stream.indirect.scatter.add.f32 [tilespmem:s19], [sflag:$0x2], $0x10, s20, s14, $0xb8;
	[tilespmem:$0x19000] =	vst v63  }
0x2f: {  	s18 =	sadd.s32 $0x200, s18;
	s19 =	sadd.s32 $0x800, s19  }
0x30: {  	_ =	swait.ge [sflag:s16], $0x800  }
0x31: {  	s18 =	simm.s32 $0x27;
	[sflag:s16] =	ssyncset.done $0x0  }
.LBB2_8:
0x32: {  	p0 =	sne.s32 s18, $0x1;
	s18 =	sadd.s32 $0xFFFFFFFF, s18;
	[sflag:s16] =	ssyncadd.s32 $0xFFFFF800  }
.Ltmp3:
0x33: {  	(pc) =	sbr.rel @p0 .LBB2_8-.Ltmp3, $3  }
0x34: {  	_ =	sdelay $0x1  }
0x35: {  	_ =	swait.ge [sflag:s16], $0x800  }
0x36: {  	[sflag:s16] =	ssyncset.done $0x0  }
0x37: {  	s17 =	sadd.s32 $0x1, s17  }
0x38: {  	[sflag:s16] =	ssyncadd.s32 $0xFFFFF800;
	p0 =	sne.s32 s17, s10  }
.Ltmp4:
0x39: {  	[bflag:$0x0] =	sbarrier.arrive $0xFFFF;
	(pc) =	sbr.rel @p0 .LBB2_1-.Ltmp4, $4  }
0x3a: {  	[hbm:s9], [sflag:s6] =	dma.local [spmem:s11], $0x500  }
0x3b: {  	_ =	swait.ge [sflag:s12], $0x500  }
0x3c: {  	[sflag:s12] =	ssyncset.done $0x0  }
0x3d: {  	[sflag:s12] =	ssyncadd.s32 $0xFFFFFB00  }
0x3e: {  	_ =	sfence.sel $0x180000  }
0x3f: {  	[bflag:$0x0] =	sbarrier.arrive $0xFFFF  }
0x40: {  	p0 =	sne.s32 s0, $0x0;
	_ =	strace $0x90000047  }
0x41: {  	s0 =	sadd.s32 @!p0 $0x100000, s2;
	[bflag:$0x2] =	sbarrier.arrive $0xFFFF  }
0x42: {  	[sflag:s0] =	ssyncadd.tile.s32 @!p0 $0x1;
	_ =	shalt  }
.Lfunc_end2:
_tile_overlayer_lowered:
.L_overlay_start_2:
0x43: {  	(tag) =	ssettag $0x2  }
0x44: {  	s0 =	rddreg [dreg:$0x0];
	s2 =	stileid.u32  }
0x45: {  	s1 =	rddreg [dreg:$0x1];
	p0 =	sne.s32 s2, $0x0  }
0x46: {  	s3 =	rddreg [dreg:$0x2];
	[bflag:$0x3] =	sbarrier.arrive $0xFFFF;
	s2 =	simm.s32 @!p0 $0x1C03  }
0x47: {  	[timem:s3], [sflag:s2] =	dma.local @!p0 [hbm:s0], s1  }
0x48: {  	s0 =	simm.s32 @!p0 $0x3  }
0x49: {  	_ =	swait.ge @!p0 [sflag:s0], s1  }
0x4a: {  	s1 =	ssub.s32 @!p0 $0x0, s1;
	[sflag:s0] =	ssyncset.done @!p0 $0x0  }
0x4b: {  	[sflag:s0] =	ssyncadd.s32 @!p0 s1  }
0x4c: {  	[bflag:$0x3] =	sbarrier.arrive $0xFFFF  }
0x4d: {  	_ =	shalt  }

</sc_bundles>
